<compile_context>
chip_gen: v7x
topology: tpu7x:2x2x1
jax: 0.10.2.dev20260603
libtpu: 0.0.44.dev20260713+nightly
codegen_flags: <defaults>
</compile_context>

<pallas_src>
import jax
import jax.numpy as jnp
from jax import lax
from jax.experimental import pallas as pl
from jax.experimental.pallas import tpu as pltpu
from jax.experimental.pallas import tpu_sc as plsc

NENTITY = 1000000
EDIM = 64
NRELATION = 64
BATCH = 16384
PAIRW = 2 * EDIM

VB = 4096
GROUP = 4 * VB
NPACK = (NENTITY + GROUP - 1) // GROUP
PROWS = NPACK * VB
_LASTB = (NENTITY - 1) // VB

NC = 2
NS = 16
NW = NC * NS
ROWS_PER_W = BATCH // NW
CHUNK = 128
NCHUNK = ROWS_PER_W // CHUNK

TC_BLOCK = 2048

_HI = -65536


def _bf16_hi_bits(x):
    r = x.astype(jnp.bfloat16).astype(jnp.float32)
    return lax.bitcast_convert_type(r, jnp.int32) & _HI


def _pack_pair(a, b):
    bu = lax.bitcast_convert_type(_bf16_hi_bits(b), jnp.uint32)
    blo = lax.bitcast_convert_type(jnp.right_shift(bu, 16), jnp.int32)
    bits = _bf16_hi_bits(a) | blo
    return lax.bitcast_convert_type(bits, jnp.float32)


def _pack_body(a_ref, b_ref, c_ref, d_ref, out_ref):
    at = jnp.transpose(a_ref[...], (1, 0))
    bt = jnp.transpose(b_ref[...], (1, 0))
    ct = jnp.transpose(c_ref[...], (1, 0))
    dt = jnp.transpose(d_ref[...], (1, 0))
    w1 = _pack_pair(at, bt)
    w2 = _pack_pair(ct, dt)
    out_ref[...] = jnp.concatenate([w1, w2], axis=1)


def _tc_pack(embT):
    def spec(q):
        return pl.BlockSpec(
            (EDIM, VB), lambda i: (0, jnp.minimum(4 * i + q, _LASTB)))
    return pl.pallas_call(
        _pack_body,
        grid=(NPACK,),
        in_specs=[spec(0), spec(1), spec(2), spec(3)],
        out_specs=pl.BlockSpec((VB, PAIRW), lambda i: (i, 0)),
        out_shape=jax.ShapeDtypeStruct((PROWS, PAIRW), jnp.float32),
    )(embT, embT, embT, embT)


def _sc_gather_body(h_hbm, t_hbm, emb_hbm, gh_hbm, gt_hbm,
                    hidx_v, tidx_v, bufh0, bufh1, buft0, buft1,
                    semh, semt, semo):
    wid = lax.axis_index("s") * NC + lax.axis_index("c")
    base = wid * ROWS_PER_W
    pltpu.sync_copy(h_hbm.at[pl.ds(wid * NCHUNK, NCHUNK)], hidx_v)
    pltpu.sync_copy(t_hbm.at[pl.ds(wid * NCHUNK, NCHUNK)], tidx_v)
    bufh = [bufh0, bufh1]
    buft = [buft0, buft1]
    gw = [pltpu.async_copy(emb_hbm.at[hidx_v.at[0]], bufh[0], semh),
          pltpu.async_copy(emb_hbm.at[tidx_v.at[0]], buft[0], semt)]
    outw = []
    for c in range(NCHUNK):
        b = c & 1
        nw = []
        if c + 1 < NCHUNK:
            nw = [pltpu.async_copy(
                      emb_hbm.at[hidx_v.at[c + 1]], bufh[1 - b], semh),
                  pltpu.async_copy(
                      emb_hbm.at[tidx_v.at[c + 1]], buft[1 - b], semt)]
        for w in gw:
            w.wait()
        gw = nw
        for w in outw:
            w.wait()
        outw = [pltpu.async_copy(
                    bufh[b], gh_hbm.at[pl.ds(base + c * CHUNK, CHUNK)], semo),
                pltpu.async_copy(
                    buft[b], gt_hbm.at[pl.ds(base + c * CHUNK, CHUNK)], semo)]
    for w in outw:
        w.wait()


def _sc_gather(h2, t2, packed):
    mesh = plsc.VectorSubcoreMesh(core_axis_name="c", subcore_axis_name="s")
    f = pl.kernel(
        _sc_gather_body,
        out_type=[
            jax.ShapeDtypeStruct((BATCH, PAIRW), jnp.float32),
            jax.ShapeDtypeStruct((BATCH, PAIRW), jnp.float32),
        ],
        mesh=mesh,
        scratch_types=[
            pltpu.VMEM((NCHUNK, CHUNK), jnp.int32),
            pltpu.VMEM((NCHUNK, CHUNK), jnp.int32),
            pltpu.VMEM((CHUNK, PAIRW), jnp.float32),
            pltpu.VMEM((CHUNK, PAIRW), jnp.float32),
            pltpu.VMEM((CHUNK, PAIRW), jnp.float32),
            pltpu.VMEM((CHUNK, PAIRW), jnp.float32),
            pltpu.SemaphoreType.DMA,
            pltpu.SemaphoreType.DMA,
            pltpu.SemaphoreType.DMA,
        ],
        compiler_params=pltpu.CompilerParams(use_tc_tiling_on_sc=True),
    )
    return f(h2, t2, packed)


def _bcast_col(row, width):
    ones = jnp.ones((1, width), dtype=jnp.float32)
    return lax.dot_general(row, ones, (((0,), (0,)), ((), ())),
                           preferred_element_type=jnp.float32)


def _unpack(g_ref, colsel, hilo):
    left = g_ref[:, :EDIM]
    right = g_ref[:, EDIM:]
    word = jnp.where(colsel == 1.0, right, left)
    bits = lax.bitcast_convert_type(word, jnp.int32)
    bits = jnp.where(hilo == 1.0, jnp.left_shift(bits, 16), bits & _HI)
    return lax.bitcast_convert_type(bits, jnp.float32)


def _tc_body(q_ref, er_ref, wt_ref, gh_ref, gt_ref, out_ref):
    qs = q_ref[...]
    hcol = _bcast_col(qs[0:1, :], EDIM)
    hlo = _bcast_col(qs[1:2, :], EDIM)
    tcol = _bcast_col(qs[2:3, :], EDIM)
    tlo = _bcast_col(qs[3:4, :], EDIM)
    relc = _bcast_col(qs[4:5, :], NRELATION)
    eh = _unpack(gh_ref, hcol, hlo)
    et = _unpack(gt_ref, tcol, tlo)
    d = (eh - et).astype(jnp.bfloat16)
    y = jnp.dot(d, wt_ref[...].astype(jnp.bfloat16),
                preferred_element_type=jnp.float32)
    iota = lax.broadcasted_iota(jnp.int32, (1, NRELATION), 1).astype(
        jnp.float32)
    onehot = (relc == iota).astype(jnp.float32)
    e_r = jnp.dot(onehot, er_ref[...], preferred_element_type=jnp.float32)
    z = y + e_r
    out_ref[...] = jnp.sum(z * z, axis=1)


def _tc_score(q5, emb_rel, wt, gh, gt):
    grid = (BATCH // TC_BLOCK,)
    blk = lambda i: (i, 0)
    return pl.pallas_call(
        _tc_body,
        grid=grid,
        in_specs=[
            pl.BlockSpec((5, TC_BLOCK), lambda i: (0, i)),
            pl.BlockSpec((NRELATION, NRELATION), lambda i: (0, 0)),
            pl.BlockSpec((EDIM, EDIM), lambda i: (0, 0)),
            pl.BlockSpec((TC_BLOCK, PAIRW), blk),
            pl.BlockSpec((TC_BLOCK, PAIRW), blk),
        ],
        out_specs=pl.BlockSpec((TC_BLOCK,), lambda i: (i,)),
        out_shape=jax.ShapeDtypeStruct((BATCH,), jnp.float32),
    )(q5, emb_rel, wt, gh, gt)


def _row_of(e):
    return (e // GROUP) * VB + (e % VB)


def kernel(h, rel, t, emb_e, emb_rel, W):
    packed = _tc_pack(emb_e.T)
    h2 = _row_of(h).reshape(BATCH // CHUNK, CHUNK)
    t2 = _row_of(t).reshape(BATCH // CHUNK, CHUNK)
    gh, gt = _sc_gather(h2, t2, packed)
    hq = (h // VB) & 3
    tq = (t // VB) & 3
    q5 = jnp.stack([(hq >> 1).astype(jnp.float32),
                    (hq & 1).astype(jnp.float32),
                    (tq >> 1).astype(jnp.float32),
                    (tq & 1).astype(jnp.float32),
                    rel.astype(jnp.float32)], axis=0)
    return _tc_score(q5, emb_rel, W.T, gh, gt)

# --- scband reference (transcript-rebuilt; emitter-appended) ---
"""Pipeline reference for scband-trans-r-18622978195900 (READ-ONLY COPY).

The authoritative reference and input builder live on the scoring server;
editing this copy changes nothing except your own understanding.
"""

import jax, jax.numpy as jnp
import numpy as np

NENTITY = 1000000
EDIM = 64
NRELATION = 64
RDIM = 64
P_NORM = 2
BATCH = 16384


def setup_inputs(seed: int = 0) -> dict:
    key = jax.random.key(seed)
    k1, k2, k3, k4, k5, k6 = jax.random.split(key, 6)
    h = jax.random.randint(k1, (BATCH,), 0, NENTITY, dtype=jnp.int32)
    rel = jax.random.randint(k2, (BATCH,), 0, NRELATION, dtype=jnp.int32)
    t = jax.random.randint(k3, (BATCH,), 0, NENTITY, dtype=jnp.int32)
    # xavier_uniform for embedding tables (matches nn.init.xavier_uniform_)
    a_e = float(np.sqrt(6.0 / (NENTITY + EDIM)))
    emb_e = jax.random.uniform(k4, (NENTITY, EDIM), minval=-a_e, maxval=a_e, dtype=jnp.float32)
    a_r = float(np.sqrt(6.0 / (NRELATION + RDIM)))
    emb_rel = jax.random.uniform(k5, (NRELATION, RDIM), minval=-a_r, maxval=a_r, dtype=jnp.float32)
    # nn.Linear default kaiming-uniform: bound = 1/sqrt(fan_in)
    bound = float(1.0 / np.sqrt(EDIM))
    W = jax.random.uniform(k6, (RDIM, EDIM), minval=-bound, maxval=bound, dtype=jnp.float32)
    return {"h": h, "rel": rel, "t": t, "emb_e": emb_e, "emb_rel": emb_rel, "W": W}


def reference(h, rel, t, emb_e, emb_rel, W):
    # e_h = emb_e(h); e_r = emb_rel(rel); e_t = emb_e(t)
    e_h = jnp.take(emb_e, h, axis=0)
    e_r = jnp.take(emb_rel, rel, axis=0)
    e_t = jnp.take(emb_e, t, axis=0)
    # ent_transfer (Linear without bias): x @ W.T
    th = e_h @ W.T
    tt = e_t @ W.T
    diff = th + e_r - tt
    # torch.norm(diff, p=2, dim=-1)
    plausibility_score = jnp.sqrt(jnp.sum(diff * diff, axis=-1))
    return plausibility_score ** P_NORM

if __name__ == "__main__":
    import jax
    _d = setup_inputs()
    print(jax.jit(kernel)(*tuple(_d.values())))

</pallas_src>

<mosaic_0001>
#map = affine_map<(d0, d1) -> (0, 0)>
module attributes {stable_mosaic.version = 14 : i64} {
  func.func @_sc_gather_body(%arg0: i32, %arg1: i32, %arg2: memref<128x128xi32, #tpu.memory_space<hbm>>, %arg3: memref<128x128xi32, #tpu.memory_space<hbm>>, %arg4: memref<253952x128xf32, #tpu.memory_space<hbm>>, %arg5: memref<16384x128xf32, #tpu.memory_space<hbm>>, %arg6: memref<16384x128xf32, #tpu.memory_space<hbm>>, %arg7: memref<4x128xi32, #tpu.memory_space<vmem>>, %arg8: memref<4x128xi32, #tpu.memory_space<vmem>>, %arg9: memref<128x128xf32, #tpu.memory_space<vmem>>, %arg10: memref<128x128xf32, #tpu.memory_space<vmem>>, %arg11: memref<128x128xf32, #tpu.memory_space<vmem>>, %arg12: memref<128x128xf32, #tpu.memory_space<vmem>>, %arg13: memref<!tpu.dma_semaphore, #tpu.memory_space<semaphore_mem>>, %arg14: memref<!tpu.dma_semaphore, #tpu.memory_space<semaphore_mem>>, %arg15: memref<!tpu.dma_semaphore, #tpu.memory_space<semaphore_mem>>) attributes {dimension_semantics = [#tpu.dimension_semantics<core_parallel>, #tpu.dimension_semantics<subcore_parallel>], iteration_bounds = array<i64: 2, 16>, scalar_prefetch = 0 : i64, scratch_operands = 9 : i64, tpu.core_type = #tpu.core_type<sc_vector_subcore>, window_params = [{transform_indices = #map}, {transform_indices = #map}, {transform_indices = #map}, {transform_indices = #map}, {transform_indices = #map}]} {
    %mul3A = arith.constant 2 : i32
    %mul3A_0 = arith.muli %arg1, %mul3A : i32
    %add3A = arith.addi %mul3A_0, %arg0 : i32
    %mul3A_1 = arith.constant 512 : i32
    %mul3A_2 = arith.muli %add3A, %mul3A_1 : i32
    %mul3A_3 = arith.constant 4 : i32
    %mul3A_4 = arith.muli %add3A, %mul3A_3 : i32
    "tpu.region"() ({
      %run_scoped3A = tpu.sem_alloc : memref<!tpu.dma_semaphore, #tpu.memory_space<semaphore_mem>>
      %dma_start3A_197 = arith.constant 0 : i32
      %dma_start3A_198 = tpu.memref_slice %arg2[%mul3A_4, %dma_start3A_197] : memref<128x128xi32, #tpu.memory_space<hbm>> -> memref<4x128xi32, #tpu.memory_space<hbm>>
      %dma_start3A_199 = arith.constant 0 : i32
      %dma_start3A_200 = tpu.memref_slice %arg2[%mul3A_4, %dma_start3A_199] : memref<128x128xi32, #tpu.memory_space<hbm>> -> memref<4x128xi32, #tpu.memory_space<hbm>>
      tpu.enqueue_dma source(%dma_start3A_200 : memref<4x128xi32, #tpu.memory_space<hbm>>) target(%arg7 : memref<4x128xi32, #tpu.memory_space<vmem>>) target_semaphore(%run_scoped3A : memref<!tpu.dma_semaphore, #tpu.memory_space<semaphore_mem>>)
      %dma_wait3A_201 = arith.constant 0 : i32
      %dma_wait3A_202 = tpu.memref_slice %arg2[%mul3A_4, %dma_wait3A_201] : memref<128x128xi32, #tpu.memory_space<hbm>> -> memref<4x128xi32, #tpu.memory_space<hbm>>
      %dma_wait3A_203 = arith.constant 0 : i32
      %dma_wait3A_204 = tpu.memref_slice %arg2[%mul3A_4, %dma_wait3A_203] : memref<128x128xi32, #tpu.memory_space<hbm>> -> memref<4x128xi32, #tpu.memory_space<hbm>>
      tpu.wait_dma2 semaphore(%run_scoped3A : memref<!tpu.dma_semaphore, #tpu.memory_space<semaphore_mem>>) src(%dma_wait3A_204 : memref<4x128xi32, #tpu.memory_space<hbm>>) dst(%arg7 : memref<4x128xi32, #tpu.memory_space<vmem>>)
      tpu.yield
    }) : () -> ()
    %mul3A_5 = arith.constant 4 : i32
    %mul3A_6 = arith.muli %add3A, %mul3A_5 : i32
    "tpu.region"() ({
      %run_scoped3A = tpu.sem_alloc : memref<!tpu.dma_semaphore, #tpu.memory_space<semaphore_mem>>
      %dma_start3A_197 = arith.constant 0 : i32
      %dma_start3A_198 = tpu.memref_slice %arg3[%mul3A_6, %dma_start3A_197] : memref<128x128xi32, #tpu.memory_space<hbm>> -> memref<4x128xi32, #tpu.memory_space<hbm>>
      %dma_start3A_199 = arith.constant 0 : i32
      %dma_start3A_200 = tpu.memref_slice %arg3[%mul3A_6, %dma_start3A_199] : memref<128x128xi32, #tpu.memory_space<hbm>> -> memref<4x128xi32, #tpu.memory_space<hbm>>
      tpu.enqueue_dma source(%dma_start3A_200 : memref<4x128xi32, #tpu.memory_space<hbm>>) target(%arg8 : memref<4x128xi32, #tpu.memory_space<vmem>>) target_semaphore(%run_scoped3A : memref<!tpu.dma_semaphore, #tpu.memory_space<semaphore_mem>>)
      %dma_wait3A_201 = arith.constant 0 : i32
      %dma_wait3A_202 = tpu.memref_slice %arg3[%mul3A_6, %dma_wait3A_201] : memref<128x128xi32, #tpu.memory_space<hbm>> -> memref<4x128xi32, #tpu.memory_space<hbm>>
      %dma_wait3A_203 = arith.constant 0 : i32
      %dma_wait3A_204 = tpu.memref_slice %arg3[%mul3A_6, %dma_wait3A_203] : memref<128x128xi32, #tpu.memory_space<hbm>> -> memref<4x128xi32, #tpu.memory_space<hbm>>
      tpu.wait_dma2 semaphore(%run_scoped3A : memref<!tpu.dma_semaphore, #tpu.memory_space<semaphore_mem>>) src(%dma_wait3A_204 : memref<4x128xi32, #tpu.memory_space<hbm>>) dst(%arg8 : memref<4x128xi32, #tpu.memory_space<vmem>>)
      tpu.yield
    }) : () -> ()
    %dma_start3A = arith.constant 0 : i32
    %dma_start3A_7 = arith.constant 0 : i32
    %dma_start3A_8 = tpu.memref_slice %arg7[%dma_start3A, %dma_start3A_7] : memref<4x128xi32, #tpu.memory_space<vmem>> -> memref<1x128xi32, #tpu.memory_space<vmem>>
    %dma_start3A_9 = tpu.memref_squeeze %dma_start3A_8 : memref<1x128xi32, #tpu.memory_space<vmem>> -> memref<128xi32, #tpu.memory_space<vmem>>
    %dma_start3A_10 = arith.constant 0 : i32
    %dma_start3A_11 = arith.constant 0 : i32
    %dma_start3A_12 = tpu.memref_slice %arg4[%dma_start3A_10, %dma_start3A_11] : memref<253952x128xf32, #tpu.memory_space<hbm>> -> memref<253952x128xf32, #tpu.memory_space<hbm>>
    tpu.enqueue_indirect_dma source(%dma_start3A_12 : memref<253952x128xf32, #tpu.memory_space<hbm>>) target(%arg9 : memref<128x128xf32, #tpu.memory_space<vmem>>) offsets(%dma_start3A_9 : memref<128xi32, #tpu.memory_space<vmem>>) semaphore(%arg13 : memref<!tpu.dma_semaphore, #tpu.memory_space<semaphore_mem>>)
    %dma_start3A_13 = arith.constant 0 : i32
    %dma_start3A_14 = arith.constant 0 : i32
    %dma_start3A_15 = tpu.memref_slice %arg8[%dma_start3A_13, %dma_start3A_14] : memref<4x128xi32, #tpu.memory_space<vmem>> -> memref<1x128xi32, #tpu.memory_space<vmem>>
    %dma_start3A_16 = tpu.memref_squeeze %dma_start3A_15 : memref<1x128xi32, #tpu.memory_space<vmem>> -> memref<128xi32, #tpu.memory_space<vmem>>
    %dma_start3A_17 = arith.constant 0 : i32
    %dma_start3A_18 = arith.constant 0 : i32
    %dma_start3A_19 = tpu.memref_slice %arg4[%dma_start3A_17, %dma_start3A_18] : memref<253952x128xf32, #tpu.memory_space<hbm>> -> memref<253952x128xf32, #tpu.memory_space<hbm>>
    tpu.enqueue_indirect_dma source(%dma_start3A_19 : memref<253952x128xf32, #tpu.memory_space<hbm>>) target(%arg11 : memref<128x128xf32, #tpu.memory_space<vmem>>) offsets(%dma_start3A_16 : memref<128xi32, #tpu.memory_space<vmem>>) semaphore(%arg14 : memref<!tpu.dma_semaphore, #tpu.memory_space<semaphore_mem>>)
    %dma_start3A_20 = arith.constant 1 : i32
    %dma_start3A_21 = arith.constant 0 : i32
    %dma_start3A_22 = tpu.memref_slice %arg7[%dma_start3A_20, %dma_start3A_21] : memref<4x128xi32, #tpu.memory_space<vmem>> -> memref<1x128xi32, #tpu.memory_space<vmem>>
    %dma_start3A_23 = tpu.memref_squeeze %dma_start3A_22 : memref<1x128xi32, #tpu.memory_space<vmem>> -> memref<128xi32, #tpu.memory_space<vmem>>
    %dma_start3A_24 = arith.constant 0 : i32
    %dma_start3A_25 = arith.constant 0 : i32
    %dma_start3A_26 = tpu.memref_slice %arg4[%dma_start3A_24, %dma_start3A_25] : memref<253952x128xf32, #tpu.memory_space<hbm>> -> memref<253952x128xf32, #tpu.memory_space<hbm>>
    tpu.enqueue_indirect_dma source(%dma_start3A_26 : memref<253952x128xf32, #tpu.memory_space<hbm>>) target(%arg10 : memref<128x128xf32, #tpu.memory_space<vmem>>) offsets(%dma_start3A_23 : memref<128xi32, #tpu.memory_space<vmem>>) semaphore(%arg13 : memref<!tpu.dma_semaphore, #tpu.memory_space<semaphore_mem>>)
    %dma_start3A_27 = arith.constant 1 : i32
    %dma_start3A_28 = arith.constant 0 : i32
    %dma_start3A_29 = tpu.memref_slice %arg8[%dma_start3A_27, %dma_start3A_28] : memref<4x128xi32, #tpu.memory_space<vmem>> -> memref<1x128xi32, #tpu.memory_space<vmem>>
    %dma_start3A_30 = tpu.memref_squeeze %dma_start3A_29 : memref<1x128xi32, #tpu.memory_space<vmem>> -> memref<128xi32, #tpu.memory_space<vmem>>
    %dma_start3A_31 = arith.constant 0 : i32
    %dma_start3A_32 = arith.constant 0 : i32
    %dma_start3A_33 = tpu.memref_slice %arg4[%dma_start3A_31, %dma_start3A_32] : memref<253952x128xf32, #tpu.memory_space<hbm>> -> memref<253952x128xf32, #tpu.memory_space<hbm>>
    tpu.enqueue_indirect_dma source(%dma_start3A_33 : memref<253952x128xf32, #tpu.memory_space<hbm>>) target(%arg12 : memref<128x128xf32, #tpu.memory_space<vmem>>) offsets(%dma_start3A_30 : memref<128xi32, #tpu.memory_space<vmem>>) semaphore(%arg14 : memref<!tpu.dma_semaphore, #tpu.memory_space<semaphore_mem>>)
    %dma_wait3A = arith.constant 0 : i32
    %dma_wait3A_34 = arith.constant 0 : i32
    %dma_wait3A_35 = tpu.memref_slice %arg7[%dma_wait3A, %dma_wait3A_34] : memref<4x128xi32, #tpu.memory_space<vmem>> -> memref<1x128xi32, #tpu.memory_space<vmem>>
    %dma_wait3A_36 = tpu.memref_squeeze %dma_wait3A_35 : memref<1x128xi32, #tpu.memory_space<vmem>> -> memref<128xi32, #tpu.memory_space<vmem>>
    %dma_wait3A_37 = arith.constant 0 : i32
    %dma_wait3A_38 = arith.constant 0 : i32
    %dma_wait3A_39 = tpu.memref_slice %arg4[%dma_wait3A_37, %dma_wait3A_38] : memref<253952x128xf32, #tpu.memory_space<hbm>> -> memref<253952x128xf32, #tpu.memory_space<hbm>>
    tpu.wait_indirect_dma semaphore(%arg13 : memref<!tpu.dma_semaphore, #tpu.memory_space<semaphore_mem>>) src(%dma_wait3A_39 : memref<253952x128xf32, #tpu.memory_space<hbm>>) dst(%arg9 : memref<128x128xf32, #tpu.memory_space<vmem>>)
    %dma_wait3A_40 = arith.constant 0 : i32
    %dma_wait3A_41 = arith.constant 0 : i32
    %dma_wait3A_42 = tpu.memref_slice %arg8[%dma_wait3A_40, %dma_wait3A_41] : memref<4x128xi32, #tpu.memory_space<vmem>> -> memref<1x128xi32, #tpu.memory_space<vmem>>
    %dma_wait3A_43 = tpu.memref_squeeze %dma_wait3A_42 : memref<1x128xi32, #tpu.memory_space<vmem>> -> memref<128xi32, #tpu.memory_space<vmem>>
    %dma_wait3A_44 = arith.constant 0 : i32
    %dma_wait3A_45 = arith.constant 0 : i32
    %dma_wait3A_46 = tpu.memref_slice %arg4[%dma_wait3A_44, %dma_wait3A_45] : memref<253952x128xf32, #tpu.memory_space<hbm>> -> memref<253952x128xf32, #tpu.memory_space<hbm>>
    tpu.wait_indirect_dma semaphore(%arg14 : memref<!tpu.dma_semaphore, #tpu.memory_space<semaphore_mem>>) src(%dma_wait3A_46 : memref<253952x128xf32, #tpu.memory_space<hbm>>) dst(%arg11 : memref<128x128xf32, #tpu.memory_space<vmem>>)
    %add3A_47 = arith.constant 0 : i32
    %add3A_48 = arith.addi %mul3A_2, %add3A_47 : i32
    %dma_start3A_49 = arith.constant 0 : i32
    %dma_start3A_50 = tpu.memref_slice %arg5[%add3A_48, %dma_start3A_49] : memref<16384x128xf32, #tpu.memory_space<hbm>> -> memref<128x128xf32, #tpu.memory_space<hbm>>
    %dma_start3A_51 = arith.constant 0 : i32
    %dma_start3A_52 = tpu.memref_slice %arg5[%add3A_48, %dma_start3A_51] : memref<16384x128xf32, #tpu.memory_space<hbm>> -> memref<128x128xf32, #tpu.memory_space<hbm>>
    tpu.enqueue_dma source(%arg9 : memref<128x128xf32, #tpu.memory_space<vmem>>) target(%dma_start3A_52 : memref<128x128xf32, #tpu.memory_space<hbm>>) target_semaphore(%arg15 : memref<!tpu.dma_semaphore, #tpu.memory_space<semaphore_mem>>)
    %add3A_53 = arith.constant 0 : i32
    %add3A_54 = arith.addi %mul3A_2, %add3A_53 : i32
    %dma_start3A_55 = arith.constant 0 : i32
    %dma_start3A_56 = tpu.memref_slice %arg6[%add3A_54, %dma_start3A_55] : memref<16384x128xf32, #tpu.memory_space<hbm>> -> memref<128x128xf32, #tpu.memory_space<hbm>>
    %dma_start3A_57 = arith.constant 0 : i32
    %dma_start3A_58 = tpu.memref_slice %arg6[%add3A_54, %dma_start3A_57] : memref<16384x128xf32, #tpu.memory_space<hbm>> -> memref<128x128xf32, #tpu.memory_space<hbm>>
    tpu.enqueue_dma source(%arg11 : memref<128x128xf32, #tpu.memory_space<vmem>>) target(%dma_start3A_58 : memref<128x128xf32, #tpu.memory_space<hbm>>) target_semaphore(%arg15 : memref<!tpu.dma_semaphore, #tpu.memory_space<semaphore_mem>>)
    %dma_start3A_59 = arith.constant 2 : i32
    %dma_start3A_60 = arith.constant 0 : i32
    %dma_start3A_61 = tpu.memref_slice %arg7[%dma_start3A_59, %dma_start3A_60] : memref<4x128xi32, #tpu.memory_space<vmem>> -> memref<1x128xi32, #tpu.memory_space<vmem>>
    %dma_start3A_62 = tpu.memref_squeeze %dma_start3A_61 : memref<1x128xi32, #tpu.memory_space<vmem>> -> memref<128xi32, #tpu.memory_space<vmem>>
    %dma_start3A_63 = arith.constant 0 : i32
    %dma_start3A_64 = arith.constant 0 : i32
    %dma_start3A_65 = tpu.memref_slice %arg4[%dma_start3A_63, %dma_start3A_64] : memref<253952x128xf32, #tpu.memory_space<hbm>> -> memref<253952x128xf32, #tpu.memory_space<hbm>>
    tpu.enqueue_indirect_dma source(%dma_start3A_65 : memref<253952x128xf32, #tpu.memory_space<hbm>>) target(%arg9 : memref<128x128xf32, #tpu.memory_space<vmem>>) offsets(%dma_start3A_62 : memref<128xi32, #tpu.memory_space<vmem>>) semaphore(%arg13 : memref<!tpu.dma_semaphore, #tpu.memory_space<semaphore_mem>>)
    %dma_start3A_66 = arith.constant 2 : i32
    %dma_start3A_67 = arith.constant 0 : i32
    %dma_start3A_68 = tpu.memref_slice %arg8[%dma_start3A_66, %dma_start3A_67] : memref<4x128xi32, #tpu.memory_space<vmem>> -> memref<1x128xi32, #tpu.memory_space<vmem>>
    %dma_start3A_69 = tpu.memref_squeeze %dma_start3A_68 : memref<1x128xi32, #tpu.memory_space<vmem>> -> memref<128xi32, #tpu.memory_space<vmem>>
    %dma_start3A_70 = arith.constant 0 : i32
    %dma_start3A_71 = arith.constant 0 : i32
    %dma_start3A_72 = tpu.memref_slice %arg4[%dma_start3A_70, %dma_start3A_71] : memref<253952x128xf32, #tpu.memory_space<hbm>> -> memref<253952x128xf32, #tpu.memory_space<hbm>>
    tpu.enqueue_indirect_dma source(%dma_start3A_72 : memref<253952x128xf32, #tpu.memory_space<hbm>>) target(%arg11 : memref<128x128xf32, #tpu.memory_space<vmem>>) offsets(%dma_start3A_69 : memref<128xi32, #tpu.memory_space<vmem>>) semaphore(%arg14 : memref<!tpu.dma_semaphore, #tpu.memory_space<semaphore_mem>>)
    %dma_wait3A_73 = arith.constant 1 : i32
    %dma_wait3A_74 = arith.constant 0 : i32
    %dma_wait3A_75 = tpu.memref_slice %arg7[%dma_wait3A_73, %dma_wait3A_74] : memref<4x128xi32, #tpu.memory_space<vmem>> -> memref<1x128xi32, #tpu.memory_space<vmem>>
    %dma_wait3A_76 = tpu.memref_squeeze %dma_wait3A_75 : memref<1x128xi32, #tpu.memory_space<vmem>> -> memref<128xi32, #tpu.memory_space<vmem>>
    %dma_wait3A_77 = arith.constant 0 : i32
    %dma_wait3A_78 = arith.constant 0 : i32
    %dma_wait3A_79 = tpu.memref_slice %arg4[%dma_wait3A_77, %dma_wait3A_78] : memref<253952x128xf32, #tpu.memory_space<hbm>> -> memref<253952x128xf32, #tpu.memory_space<hbm>>
    tpu.wait_indirect_dma semaphore(%arg13 : memref<!tpu.dma_semaphore, #tpu.memory_space<semaphore_mem>>) src(%dma_wait3A_79 : memref<253952x128xf32, #tpu.memory_space<hbm>>) dst(%arg10 : memref<128x128xf32, #tpu.memory_space<vmem>>)
    %dma_wait3A_80 = arith.constant 1 : i32
    %dma_wait3A_81 = arith.constant 0 : i32
    %dma_wait3A_82 = tpu.memref_slice %arg8[%dma_wait3A_80, %dma_wait3A_81] : memref<4x128xi32, #tpu.memory_space<vmem>> -> memref<1x128xi32, #tpu.memory_space<vmem>>
    %dma_wait3A_83 = tpu.memref_squeeze %dma_wait3A_82 : memref<1x128xi32, #tpu.memory_space<vmem>> -> memref<128xi32, #tpu.memory_space<vmem>>
    %dma_wait3A_84 = arith.constant 0 : i32
    %dma_wait3A_85 = arith.constant 0 : i32
    %dma_wait3A_86 = tpu.memref_slice %arg4[%dma_wait3A_84, %dma_wait3A_85] : memref<253952x128xf32, #tpu.memory_space<hbm>> -> memref<253952x128xf32, #tpu.memory_space<hbm>>
    tpu.wait_indirect_dma semaphore(%arg14 : memref<!tpu.dma_semaphore, #tpu.memory_space<semaphore_mem>>) src(%dma_wait3A_86 : memref<253952x128xf32, #tpu.memory_space<hbm>>) dst(%arg12 : memref<128x128xf32, #tpu.memory_space<vmem>>)
    %dma_wait3A_87 = arith.constant 0 : i32
    %dma_wait3A_88 = tpu.memref_slice %arg5[%add3A_48, %dma_wait3A_87] : memref<16384x128xf32, #tpu.memory_space<hbm>> -> memref<128x128xf32, #tpu.memory_space<hbm>>
    %dma_wait3A_89 = arith.constant 0 : i32
    %dma_wait3A_90 = tpu.memref_slice %arg5[%add3A_48, %dma_wait3A_89] : memref<16384x128xf32, #tpu.memory_space<hbm>> -> memref<128x128xf32, #tpu.memory_space<hbm>>
    tpu.wait_dma2 semaphore(%arg15 : memref<!tpu.dma_semaphore, #tpu.memory_space<semaphore_mem>>) src(%arg9 : memref<128x128xf32, #tpu.memory_space<vmem>>) dst(%dma_wait3A_90 : memref<128x128xf32, #tpu.memory_space<hbm>>)
    %dma_wait3A_91 = arith.constant 0 : i32
    %dma_wait3A_92 = tpu.memref_slice %arg6[%add3A_54, %dma_wait3A_91] : memref<16384x128xf32, #tpu.memory_space<hbm>> -> memref<128x128xf32, #tpu.memory_space<hbm>>
    %dma_wait3A_93 = arith.constant 0 : i32
    %dma_wait3A_94 = tpu.memref_slice %arg6[%add3A_54, %dma_wait3A_93] : memref<16384x128xf32, #tpu.memory_space<hbm>> -> memref<128x128xf32, #tpu.memory_space<hbm>>
    tpu.wait_dma2 semaphore(%arg15 : memref<!tpu.dma_semaphore, #tpu.memory_space<semaphore_mem>>) src(%arg11 : memref<128x128xf32, #tpu.memory_space<vmem>>) dst(%dma_wait3A_94 : memref<128x128xf32, #tpu.memory_space<hbm>>)
    %add3A_95 = arith.constant 128 : i32
    %add3A_96 = arith.addi %mul3A_2, %add3A_95 : i32
    %dma_start3A_97 = arith.constant 0 : i32
    %dma_start3A_98 = tpu.memref_slice %arg5[%add3A_96, %dma_start3A_97] : memref<16384x128xf32, #tpu.memory_space<hbm>> -> memref<128x128xf32, #tpu.memory_space<hbm>>
    %dma_start3A_99 = arith.constant 0 : i32
    %dma_start3A_100 = tpu.memref_slice %arg5[%add3A_96, %dma_start3A_99] : memref<16384x128xf32, #tpu.memory_space<hbm>> -> memref<128x128xf32, #tpu.memory_space<hbm>>
    tpu.enqueue_dma source(%arg10 : memref<128x128xf32, #tpu.memory_space<vmem>>) target(%dma_start3A_100 : memref<128x128xf32, #tpu.memory_space<hbm>>) target_semaphore(%arg15 : memref<!tpu.dma_semaphore, #tpu.memory_space<semaphore_mem>>)
    %add3A_101 = arith.constant 128 : i32
    %add3A_102 = arith.addi %mul3A_2, %add3A_101 : i32
    %dma_start3A_103 = arith.constant 0 : i32
    %dma_start3A_104 = tpu.memref_slice %arg6[%add3A_102, %dma_start3A_103] : memref<16384x128xf32, #tpu.memory_space<hbm>> -> memref<128x128xf32, #tpu.memory_space<hbm>>
    %dma_start3A_105 = arith.constant 0 : i32
    %dma_start3A_106 = tpu.memref_slice %arg6[%add3A_102, %dma_start3A_105] : memref<16384x128xf32, #tpu.memory_space<hbm>> -> memref<128x128xf32, #tpu.memory_space<hbm>>
    tpu.enqueue_dma source(%arg12 : memref<128x128xf32, #tpu.memory_space<vmem>>) target(%dma_start3A_106 : memref<128x128xf32, #tpu.memory_space<hbm>>) target_semaphore(%arg15 : memref<!tpu.dma_semaphore, #tpu.memory_space<semaphore_mem>>)
    %dma_start3A_107 = arith.constant 3 : i32
    %dma_start3A_108 = arith.constant 0 : i32
    %dma_start3A_109 = tpu.memref_slice %arg7[%dma_start3A_107, %dma_start3A_108] : memref<4x128xi32, #tpu.memory_space<vmem>> -> memref<1x128xi32, #tpu.memory_space<vmem>>
    %dma_start3A_110 = tpu.memref_squeeze %dma_start3A_109 : memref<1x128xi32, #tpu.memory_space<vmem>> -> memref<128xi32, #tpu.memory_space<vmem>>
    %dma_start3A_111 = arith.constant 0 : i32
    %dma_start3A_112 = arith.constant 0 : i32
    %dma_start3A_113 = tpu.memref_slice %arg4[%dma_start3A_111, %dma_start3A_112] : memref<253952x128xf32, #tpu.memory_space<hbm>> -> memref<253952x128xf32, #tpu.memory_space<hbm>>
    tpu.enqueue_indirect_dma source(%dma_start3A_113 : memref<253952x128xf32, #tpu.memory_space<hbm>>) target(%arg10 : memref<128x128xf32, #tpu.memory_space<vmem>>) offsets(%dma_start3A_110 : memref<128xi32, #tpu.memory_space<vmem>>) semaphore(%arg13 : memref<!tpu.dma_semaphore, #tpu.memory_space<semaphore_mem>>)
    %dma_start3A_114 = arith.constant 3 : i32
    %dma_start3A_115 = arith.constant 0 : i32
    %dma_start3A_116 = tpu.memref_slice %arg8[%dma_start3A_114, %dma_start3A_115] : memref<4x128xi32, #tpu.memory_space<vmem>> -> memref<1x128xi32, #tpu.memory_space<vmem>>
    %dma_start3A_117 = tpu.memref_squeeze %dma_start3A_116 : memref<1x128xi32, #tpu.memory_space<vmem>> -> memref<128xi32, #tpu.memory_space<vmem>>
    %dma_start3A_118 = arith.constant 0 : i32
    %dma_start3A_119 = arith.constant 0 : i32
    %dma_start3A_120 = tpu.memref_slice %arg4[%dma_start3A_118, %dma_start3A_119] : memref<253952x128xf32, #tpu.memory_space<hbm>> -> memref<253952x128xf32, #tpu.memory_space<hbm>>
    tpu.enqueue_indirect_dma source(%dma_start3A_120 : memref<253952x128xf32, #tpu.memory_space<hbm>>) target(%arg12 : memref<128x128xf32, #tpu.memory_space<vmem>>) offsets(%dma_start3A_117 : memref<128xi32, #tpu.memory_space<vmem>>) semaphore(%arg14 : memref<!tpu.dma_semaphore, #tpu.memory_space<semaphore_mem>>)
    %dma_wait3A_121 = arith.constant 2 : i32
    %dma_wait3A_122 = arith.constant 0 : i32
    %dma_wait3A_123 = tpu.memref_slice %arg7[%dma_wait3A_121, %dma_wait3A_122] : memref<4x128xi32, #tpu.memory_space<vmem>> -> memref<1x128xi32, #tpu.memory_space<vmem>>
    %dma_wait3A_124 = tpu.memref_squeeze %dma_wait3A_123 : memref<1x128xi32, #tpu.memory_space<vmem>> -> memref<128xi32, #tpu.memory_space<vmem>>
    %dma_wait3A_125 = arith.constant 0 : i32
    %dma_wait3A_126 = arith.constant 0 : i32
    %dma_wait3A_127 = tpu.memref_slice %arg4[%dma_wait3A_125, %dma_wait3A_126] : memref<253952x128xf32, #tpu.memory_space<hbm>> -> memref<253952x128xf32, #tpu.memory_space<hbm>>
    tpu.wait_indirect_dma semaphore(%arg13 : memref<!tpu.dma_semaphore, #tpu.memory_space<semaphore_mem>>) src(%dma_wait3A_127 : memref<253952x128xf32, #tpu.memory_space<hbm>>) dst(%arg9 : memref<128x128xf32, #tpu.memory_space<vmem>>)
    %dma_wait3A_128 = arith.constant 2 : i32
    %dma_wait3A_129 = arith.constant 0 : i32
    %dma_wait3A_130 = tpu.memref_slice %arg8[%dma_wait3A_128, %dma_wait3A_129] : memref<4x128xi32, #tpu.memory_space<vmem>> -> memref<1x128xi32, #tpu.memory_space<vmem>>
    %dma_wait3A_131 = tpu.memref_squeeze %dma_wait3A_130 : memref<1x128xi32, #tpu.memory_space<vmem>> -> memref<128xi32, #tpu.memory_space<vmem>>
    %dma_wait3A_132 = arith.constant 0 : i32
    %dma_wait3A_133 = arith.constant 0 : i32
    %dma_wait3A_134 = tpu.memref_slice %arg4[%dma_wait3A_132, %dma_wait3A_133] : memref<253952x128xf32, #tpu.memory_space<hbm>> -> memref<253952x128xf32, #tpu.memory_space<hbm>>
    tpu.wait_indirect_dma semaphore(%arg14 : memref<!tpu.dma_semaphore, #tpu.memory_space<semaphore_mem>>) src(%dma_wait3A_134 : memref<253952x128xf32, #tpu.memory_space<hbm>>) dst(%arg11 : memref<128x128xf32, #tpu.memory_space<vmem>>)
    %dma_wait3A_135 = arith.constant 0 : i32
    %dma_wait3A_136 = tpu.memref_slice %arg5[%add3A_96, %dma_wait3A_135] : memref<16384x128xf32, #tpu.memory_space<hbm>> -> memref<128x128xf32, #tpu.memory_space<hbm>>
    %dma_wait3A_137 = arith.constant 0 : i32
    %dma_wait3A_138 = tpu.memref_slice %arg5[%add3A_96, %dma_wait3A_137] : memref<16384x128xf32, #tpu.memory_space<hbm>> -> memref<128x128xf32, #tpu.memory_space<hbm>>
    tpu.wait_dma2 semaphore(%arg15 : memref<!tpu.dma_semaphore, #tpu.memory_space<semaphore_mem>>) src(%arg10 : memref<128x128xf32, #tpu.memory_space<vmem>>) dst(%dma_wait3A_138 : memref<128x128xf32, #tpu.memory_space<hbm>>)
    %dma_wait3A_139 = arith.constant 0 : i32
    %dma_wait3A_140 = tpu.memref_slice %arg6[%add3A_102, %dma_wait3A_139] : memref<16384x128xf32, #tpu.memory_space<hbm>> -> memref<128x128xf32, #tpu.memory_space<hbm>>
    %dma_wait3A_141 = arith.constant 0 : i32
    %dma_wait3A_142 = tpu.memref_slice %arg6[%add3A_102, %dma_wait3A_141] : memref<16384x128xf32, #tpu.memory_space<hbm>> -> memref<128x128xf32, #tpu.memory_space<hbm>>
    tpu.wait_dma2 semaphore(%arg15 : memref<!tpu.dma_semaphore, #tpu.memory_space<semaphore_mem>>) src(%arg12 : memref<128x128xf32, #tpu.memory_space<vmem>>) dst(%dma_wait3A_142 : memref<128x128xf32, #tpu.memory_space<hbm>>)
    %add3A_143 = arith.constant 256 : i32
    %add3A_144 = arith.addi %mul3A_2, %add3A_143 : i32
    %dma_start3A_145 = arith.constant 0 : i32
    %dma_start3A_146 = tpu.memref_slice %arg5[%add3A_144, %dma_start3A_145] : memref<16384x128xf32, #tpu.memory_space<hbm>> -> memref<128x128xf32, #tpu.memory_space<hbm>>
    %dma_start3A_147 = arith.constant 0 : i32
    %dma_start3A_148 = tpu.memref_slice %arg5[%add3A_144, %dma_start3A_147] : memref<16384x128xf32, #tpu.memory_space<hbm>> -> memref<128x128xf32, #tpu.memory_space<hbm>>
    tpu.enqueue_dma source(%arg9 : memref<128x128xf32, #tpu.memory_space<vmem>>) target(%dma_start3A_148 : memref<128x128xf32, #tpu.memory_space<hbm>>) target_semaphore(%arg15 : memref<!tpu.dma_semaphore, #tpu.memory_space<semaphore_mem>>)
    %add3A_149 = arith.constant 256 : i32
    %add3A_150 = arith.addi %mul3A_2, %add3A_149 : i32
    %dma_start3A_151 = arith.constant 0 : i32
    %dma_start3A_152 = tpu.memref_slice %arg6[%add3A_150, %dma_start3A_151] : memref<16384x128xf32, #tpu.memory_space<hbm>> -> memref<128x128xf32, #tpu.memory_space<hbm>>
    %dma_start3A_153 = arith.constant 0 : i32
    %dma_start3A_154 = tpu.memref_slice %arg6[%add3A_150, %dma_start3A_153] : memref<16384x128xf32, #tpu.memory_space<hbm>> -> memref<128x128xf32, #tpu.memory_space<hbm>>
    tpu.enqueue_dma source(%arg11 : memref<128x128xf32, #tpu.memory_space<vmem>>) target(%dma_start3A_154 : memref<128x128xf32, #tpu.memory_space<hbm>>) target_semaphore(%arg15 : memref<!tpu.dma_semaphore, #tpu.memory_space<semaphore_mem>>)
    %dma_wait3A_155 = arith.constant 3 : i32
    %dma_wait3A_156 = arith.constant 0 : i32
    %dma_wait3A_157 = tpu.memref_slice %arg7[%dma_wait3A_155, %dma_wait3A_156] : memref<4x128xi32, #tpu.memory_space<vmem>> -> memref<1x128xi32, #tpu.memory_space<vmem>>
    %dma_wait3A_158 = tpu.memref_squeeze %dma_wait3A_157 : memref<1x128xi32, #tpu.memory_space<vmem>> -> memref<128xi32, #tpu.memory_space<vmem>>
    %dma_wait3A_159 = arith.constant 0 : i32
    %dma_wait3A_160 = arith.constant 0 : i32
    %dma_wait3A_161 = tpu.memref_slice %arg4[%dma_wait3A_159, %dma_wait3A_160] : memref<253952x128xf32, #tpu.memory_space<hbm>> -> memref<253952x128xf32, #tpu.memory_space<hbm>>
    tpu.wait_indirect_dma semaphore(%arg13 : memref<!tpu.dma_semaphore, #tpu.memory_space<semaphore_mem>>) src(%dma_wait3A_161 : memref<253952x128xf32, #tpu.memory_space<hbm>>) dst(%arg10 : memref<128x128xf32, #tpu.memory_space<vmem>>)
    %dma_wait3A_162 = arith.constant 3 : i32
    %dma_wait3A_163 = arith.constant 0 : i32
    %dma_wait3A_164 = tpu.memref_slice %arg8[%dma_wait3A_162, %dma_wait3A_163] : memref<4x128xi32, #tpu.memory_space<vmem>> -> memref<1x128xi32, #tpu.memory_space<vmem>>
    %dma_wait3A_165 = tpu.memref_squeeze %dma_wait3A_164 : memref<1x128xi32, #tpu.memory_space<vmem>> -> memref<128xi32, #tpu.memory_space<vmem>>
    %dma_wait3A_166 = arith.constant 0 : i32
    %dma_wait3A_167 = arith.constant 0 : i32
    %dma_wait3A_168 = tpu.memref_slice %arg4[%dma_wait3A_166, %dma_wait3A_167] : memref<253952x128xf32, #tpu.memory_space<hbm>> -> memref<253952x128xf32, #tpu.memory_space<hbm>>
    tpu.wait_indirect_dma semaphore(%arg14 : memref<!tpu.dma_semaphore, #tpu.memory_space<semaphore_mem>>) src(%dma_wait3A_168 : memref<253952x128xf32, #tpu.memory_space<hbm>>) dst(%arg12 : memref<128x128xf32, #tpu.memory_space<vmem>>)
    %dma_wait3A_169 = arith.constant 0 : i32
    %dma_wait3A_170 = tpu.memref_slice %arg5[%add3A_144, %dma_wait3A_169] : memref<16384x128xf32, #tpu.memory_space<hbm>> -> memref<128x128xf32, #tpu.memory_space<hbm>>
    %dma_wait3A_171 = arith.constant 0 : i32
    %dma_wait3A_172 = tpu.memref_slice %arg5[%add3A_144, %dma_wait3A_171] : memref<16384x128xf32, #tpu.memory_space<hbm>> -> memref<128x128xf32, #tpu.memory_space<hbm>>
    tpu.wait_dma2 semaphore(%arg15 : memref<!tpu.dma_semaphore, #tpu.memory_space<semaphore_mem>>) src(%arg9 : memref<128x128xf32, #tpu.memory_space<vmem>>) dst(%dma_wait3A_172 : memref<128x128xf32, #tpu.memory_space<hbm>>)
    %dma_wait3A_173 = arith.constant 0 : i32
    %dma_wait3A_174 = tpu.memref_slice %arg6[%add3A_150, %dma_wait3A_173] : memref<16384x128xf32, #tpu.memory_space<hbm>> -> memref<128x128xf32, #tpu.memory_space<hbm>>
    %dma_wait3A_175 = arith.constant 0 : i32
    %dma_wait3A_176 = tpu.memref_slice %arg6[%add3A_150, %dma_wait3A_175] : memref<16384x128xf32, #tpu.memory_space<hbm>> -> memref<128x128xf32, #tpu.memory_space<hbm>>
    tpu.wait_dma2 semaphore(%arg15 : memref<!tpu.dma_semaphore, #tpu.memory_space<semaphore_mem>>) src(%arg11 : memref<128x128xf32, #tpu.memory_space<vmem>>) dst(%dma_wait3A_176 : memref<128x128xf32, #tpu.memory_space<hbm>>)
    %add3A_177 = arith.constant 384 : i32
    %add3A_178 = arith.addi %mul3A_2, %add3A_177 : i32
    %dma_start3A_179 = arith.constant 0 : i32
    %dma_start3A_180 = tpu.memref_slice %arg5[%add3A_178, %dma_start3A_179] : memref<16384x128xf32, #tpu.memory_space<hbm>> -> memref<128x128xf32, #tpu.memory_space<hbm>>
    %dma_start3A_181 = arith.constant 0 : i32
    %dma_start3A_182 = tpu.memref_slice %arg5[%add3A_178, %dma_start3A_181] : memref<16384x128xf32, #tpu.memory_space<hbm>> -> memref<128x128xf32, #tpu.memory_space<hbm>>
    tpu.enqueue_dma source(%arg10 : memref<128x128xf32, #tpu.memory_space<vmem>>) target(%dma_start3A_182 : memref<128x128xf32, #tpu.memory_space<hbm>>) target_semaphore(%arg15 : memref<!tpu.dma_semaphore, #tpu.memory_space<semaphore_mem>>)
    %add3A_183 = arith.constant 384 : i32
    %add3A_184 = arith.addi %mul3A_2, %add3A_183 : i32
    %dma_start3A_185 = arith.constant 0 : i32
    %dma_start3A_186 = tpu.memref_slice %arg6[%add3A_184, %dma_start3A_185] : memref<16384x128xf32, #tpu.memory_space<hbm>> -> memref<128x128xf32, #tpu.memory_space<hbm>>
    %dma_start3A_187 = arith.constant 0 : i32
    %dma_start3A_188 = tpu.memref_slice %arg6[%add3A_184, %dma_start3A_187] : memref<16384x128xf32, #tpu.memory_space<hbm>> -> memref<128x128xf32, #tpu.memory_space<hbm>>
    tpu.enqueue_dma source(%arg12 : memref<128x128xf32, #tpu.memory_space<vmem>>) target(%dma_start3A_188 : memref<128x128xf32, #tpu.memory_space<hbm>>) target_semaphore(%arg15 : memref<!tpu.dma_semaphore, #tpu.memory_space<semaphore_mem>>)
    %dma_wait3A_189 = arith.constant 0 : i32
    %dma_wait3A_190 = tpu.memref_slice %arg5[%add3A_178, %dma_wait3A_189] : memref<16384x128xf32, #tpu.memory_space<hbm>> -> memref<128x128xf32, #tpu.memory_space<hbm>>
    %dma_wait3A_191 = arith.constant 0 : i32
    %dma_wait3A_192 = tpu.memref_slice %arg5[%add3A_178, %dma_wait3A_191] : memref<16384x128xf32, #tpu.memory_space<hbm>> -> memref<128x128xf32, #tpu.memory_space<hbm>>
    tpu.wait_dma2 semaphore(%arg15 : memref<!tpu.dma_semaphore, #tpu.memory_space<semaphore_mem>>) src(%arg10 : memref<128x128xf32, #tpu.memory_space<vmem>>) dst(%dma_wait3A_192 : memref<128x128xf32, #tpu.memory_space<hbm>>)
    %dma_wait3A_193 = arith.constant 0 : i32
    %dma_wait3A_194 = tpu.memref_slice %arg6[%add3A_184, %dma_wait3A_193] : memref<16384x128xf32, #tpu.memory_space<hbm>> -> memref<128x128xf32, #tpu.memory_space<hbm>>
    %dma_wait3A_195 = arith.constant 0 : i32
    %dma_wait3A_196 = tpu.memref_slice %arg6[%add3A_184, %dma_wait3A_195] : memref<16384x128xf32, #tpu.memory_space<hbm>> -> memref<128x128xf32, #tpu.memory_space<hbm>>
    tpu.wait_dma2 semaphore(%arg15 : memref<!tpu.dma_semaphore, #tpu.memory_space<semaphore_mem>>) src(%arg12 : memref<128x128xf32, #tpu.memory_space<vmem>>) dst(%dma_wait3A_196 : memref<128x128xf32, #tpu.memory_space<hbm>>)
    return
  }
}

module attributes {stable_mosaic.version = 14 : i64} {
  func.func @_pack_body(%arg0: i32, %arg1: memref<64x4096xf32, #tpu.memory_space<vmem>>, %arg2: memref<64x4096xf32, #tpu.memory_space<vmem>>, %arg3: memref<64x4096xf32, #tpu.memory_space<vmem>>, %arg4: memref<64x4096xf32, #tpu.memory_space<vmem>>, %arg5: memref<4096x128xf32, #tpu.memory_space<vmem>>) attributes {dimension_semantics = [#tpu.dimension_semantics<arbitrary>], iteration_bounds = array<i64: 62>, scalar_prefetch = 0 : i64, scratch_operands = 0 : i64, tpu.core_type = #tpu.core_type<tc>, window_params = [{transform_indices = @transform_0, window_bounds = array<i64: 64, 4096>}, {transform_indices = @transform_1, window_bounds = array<i64: 64, 4096>}, {transform_indices = @transform_2, window_bounds = array<i64: 64, 4096>}, {transform_indices = @transform_3, window_bounds = array<i64: 64, 4096>}, {transform_indices = @transform_4, window_bounds = array<i64: 4096, 128>}]} {
    %get3A = arith.constant 0 : index
    %get3A_0 = arith.constant 0 : index
    %get3A_1 = vector.load %arg1[%get3A, %get3A_0] : memref<64x4096xf32, #tpu.memory_space<vmem>>, vector<64x4096xf32>
    %transpose3A = tpu.transpose %get3A_1, [1, 0] : vector<64x4096xf32> -> vector<4096x64xf32>
    %get3A_2 = arith.constant 0 : index
    %get3A_3 = arith.constant 0 : index
    %get3A_4 = vector.load %arg2[%get3A_2, %get3A_3] : memref<64x4096xf32, #tpu.memory_space<vmem>>, vector<64x4096xf32>
    %transpose3A_5 = tpu.transpose %get3A_4, [1, 0] : vector<64x4096xf32> -> vector<4096x64xf32>
    %get3A_6 = arith.constant 0 : index
    %get3A_7 = arith.constant 0 : index
    %get3A_8 = vector.load %arg3[%get3A_6, %get3A_7] : memref<64x4096xf32, #tpu.memory_space<vmem>>, vector<64x4096xf32>
    %transpose3A_9 = tpu.transpose %get3A_8, [1, 0] : vector<64x4096xf32> -> vector<4096x64xf32>
    %get3A_10 = arith.constant 0 : index
    %get3A_11 = arith.constant 0 : index
    %get3A_12 = vector.load %arg4[%get3A_10, %get3A_11] : memref<64x4096xf32, #tpu.memory_space<vmem>>, vector<64x4096xf32>
    %transpose3A_13 = tpu.transpose %get3A_12, [1, 0] : vector<64x4096xf32> -> vector<4096x64xf32>
    %convert_element_type3A = arith.truncf %transpose3A_5 : vector<4096x64xf32> to vector<4096x64xbf16>
    %convert_element_type3A_14 = arith.extf %convert_element_type3A : vector<4096x64xbf16> to vector<4096x64xf32>
    %bitcast_convert_type3A = tpu.bitcast %convert_element_type3A_14 : vector<4096x64xf32> -> vector<4096x64xi32>
    %and3A = arith.constant -65536 : i32
    %and3A_15 = vector.broadcast %and3A : i32 to vector<4096x64xi32>
    %and3A_16 = arith.andi %bitcast_convert_type3A, %and3A_15 : vector<4096x64xi32>
    %bitcast_convert_type3A_17 = tpu.bitcast %and3A_16 : vector<4096x64xi32> -> vector<4096x64xi32>
    %shift_right_logical3A = arith.constant 16 : i32
    %shift_right_logical3A_18 = vector.broadcast %shift_right_logical3A : i32 to vector<4096x64xi32>
    %shift_right_logical3A_19 = arith.shrui %bitcast_convert_type3A_17, %shift_right_logical3A_18 : vector<4096x64xi32>
    %bitcast_convert_type3A_20 = tpu.bitcast %shift_right_logical3A_19 : vector<4096x64xi32> -> vector<4096x64xi32>
    %convert_element_type3A_21 = arith.truncf %transpose3A : vector<4096x64xf32> to vector<4096x64xbf16>
    %convert_element_type3A_22 = arith.extf %convert_element_type3A_21 : vector<4096x64xbf16> to vector<4096x64xf32>
    %bitcast_convert_type3A_23 = tpu.bitcast %convert_element_type3A_22 : vector<4096x64xf32> -> vector<4096x64xi32>
    %and3A_24 = arith.constant -65536 : i32
    %and3A_25 = vector.broadcast %and3A_24 : i32 to vector<4096x64xi32>
    %and3A_26 = arith.andi %bitcast_convert_type3A_23, %and3A_25 : vector<4096x64xi32>
    %or3A = arith.ori %and3A_26, %bitcast_convert_type3A_20 : vector<4096x64xi32>
    %bitcast_convert_type3A_27 = tpu.bitcast %or3A : vector<4096x64xi32> -> vector<4096x64xf32>
    %convert_element_type3A_28 = arith.truncf %transpose3A_13 : vector<4096x64xf32> to vector<4096x64xbf16>
    %convert_element_type3A_29 = arith.extf %convert_element_type3A_28 : vector<4096x64xbf16> to vector<4096x64xf32>
    %bitcast_convert_type3A_30 = tpu.bitcast %convert_element_type3A_29 : vector<4096x64xf32> -> vector<4096x64xi32>
    %and3A_31 = arith.constant -65536 : i32
    %and3A_32 = vector.broadcast %and3A_31 : i32 to vector<4096x64xi32>
    %and3A_33 = arith.andi %bitcast_convert_type3A_30, %and3A_32 : vector<4096x64xi32>
    %bitcast_convert_type3A_34 = tpu.bitcast %and3A_33 : vector<4096x64xi32> -> vector<4096x64xi32>
    %shift_right_logical3A_35 = arith.constant 16 : i32
    %shift_right_logical3A_36 = vector.broadcast %shift_right_logical3A_35 : i32 to vector<4096x64xi32>
    %shift_right_logical3A_37 = arith.shrui %bitcast_convert_type3A_34, %shift_right_logical3A_36 : vector<4096x64xi32>
    %bitcast_convert_type3A_38 = tpu.bitcast %shift_right_logical3A_37 : vector<4096x64xi32> -> vector<4096x64xi32>
    %convert_element_type3A_39 = arith.truncf %transpose3A_9 : vector<4096x64xf32> to vector<4096x64xbf16>
    %convert_element_type3A_40 = arith.extf %convert_element_type3A_39 : vector<4096x64xbf16> to vector<4096x64xf32>
    %bitcast_convert_type3A_41 = tpu.bitcast %convert_element_type3A_40 : vector<4096x64xf32> -> vector<4096x64xi32>
    %and3A_42 = arith.constant -65536 : i32
    %and3A_43 = vector.broadcast %and3A_42 : i32 to vector<4096x64xi32>
    %and3A_44 = arith.andi %bitcast_convert_type3A_41, %and3A_43 : vector<4096x64xi32>
    %or3A_45 = arith.ori %and3A_44, %bitcast_convert_type3A_38 : vector<4096x64xi32>
    %bitcast_convert_type3A_46 = tpu.bitcast %or3A_45 : vector<4096x64xi32> -> vector<4096x64xf32>
    %concatenate3A = tpu.concatenate %bitcast_convert_type3A_27, %bitcast_convert_type3A_46 in 1 : vector<4096x64xf32>, vector<4096x64xf32> -> vector<4096x128xf32>
    %swap3A = arith.constant 0 : index
    %swap3A_47 = arith.constant 0 : index
    %swap3A_48 = vector.load %arg5[%swap3A, %swap3A_47] : memref<4096x128xf32, #tpu.memory_space<vmem>>, vector<4096x128xf32>
    tpu.vector_store %arg5[%swap3A, %swap3A_47], %concatenate3A {strides = array<i32>} : memref<4096x128xf32, #tpu.memory_space<vmem>>, vector<4096x128xf32>,
    return
  }
  func.func @transform_0(%arg0: i32) -> (i32, i32) {
    %mul3A = arith.constant 4 : i32
    %mul3A_0 = arith.muli %mul3A, %arg0 : i32
    %add3A = arith.constant 0 : i32
    %add3A_1 = arith.addi %mul3A_0, %add3A : i32
    %min3A = arith.constant 244 : i32
    %min3A_2 = arith.minsi %add3A_1, %min3A : i32
    %c0_i32 = arith.constant 0 : i32
    %c0_i32_3 = arith.constant 0 : i32
    return %c0_i32, %min3A_2 : i32, i32
  }
  func.func @transform_1(%arg0: i32) -> (i32, i32) {
    %mul3A = arith.constant 4 : i32
    %mul3A_0 = arith.muli %mul3A, %arg0 : i32
    %add3A = arith.constant 1 : i32
    %add3A_1 = arith.addi %mul3A_0, %add3A : i32
    %min3A = arith.constant 244 : i32
    %min3A_2 = arith.minsi %add3A_1, %min3A : i32
    %c0_i32 = arith.constant 0 : i32
    %c0_i32_3 = arith.constant 0 : i32
    return %c0_i32, %min3A_2 : i32, i32
  }
  func.func @transform_2(%arg0: i32) -> (i32, i32) {
    %mul3A = arith.constant 4 : i32
    %mul3A_0 = arith.muli %mul3A, %arg0 : i32
    %add3A = arith.constant 2 : i32
    %add3A_1 = arith.addi %mul3A_0, %add3A : i32
    %min3A = arith.constant 244 : i32
    %min3A_2 = arith.minsi %add3A_1, %min3A : i32
    %c0_i32 = arith.constant 0 : i32
    %c0_i32_3 = arith.constant 0 : i32
    return %c0_i32, %min3A_2 : i32, i32
  }
  func.func @transform_3(%arg0: i32) -> (i32, i32) {
    %mul3A = arith.constant 4 : i32
    %mul3A_0 = arith.muli %mul3A, %arg0 : i32
    %add3A = arith.constant 3 : i32
    %add3A_1 = arith.addi %mul3A_0, %add3A : i32
    %min3A = arith.constant 244 : i32
    %min3A_2 = arith.minsi %add3A_1, %min3A : i32
    %c0_i32 = arith.constant 0 : i32
    %c0_i32_3 = arith.constant 0 : i32
    return %c0_i32, %min3A_2 : i32, i32
  }
  func.func @transform_4(%arg0: i32) -> (i32, i32) {
    %c0_i32 = arith.constant 0 : i32
    %c0_i32_0 = arith.constant 0 : i32
    return %arg0, %c0_i32 : i32, i32
  }
}

module attributes {stable_mosaic.version = 14 : i64} {
  func.func @_tc_body(%arg0: i32, %arg1: memref<5x2048xf32, #tpu.memory_space<vmem>>, %arg2: memref<64x64xf32, #tpu.memory_space<vmem>>, %arg3: memref<64x64xf32, #tpu.memory_space<vmem>>, %arg4: memref<2048x128xf32, #tpu.memory_space<vmem>>, %arg5: memref<2048x128xf32, #tpu.memory_space<vmem>>, %arg6: memref<2048xf32, #tpu.memory_space<vmem>>) attributes {dimension_semantics = [#tpu.dimension_semantics<arbitrary>], iteration_bounds = array<i64: 8>, scalar_prefetch = 0 : i64, scratch_operands = 0 : i64, tpu.core_type = #tpu.core_type<tc>, window_params = [{transform_indices = @transform_0, window_bounds = array<i64: 5, 2048>}, {pipeline_mode = #tpu.pipeline_mode<synchronous>, transform_indices = @transform_1, window_bounds = array<i64: 64, 64>}, {pipeline_mode = #tpu.pipeline_mode<synchronous>, transform_indices = @transform_2, window_bounds = array<i64: 64, 64>}, {transform_indices = @transform_3, window_bounds = array<i64: 2048, 128>}, {transform_indices = @transform_4, window_bounds = array<i64: 2048, 128>}, {transform_indices = @transform_5, window_bounds = array<i64: 2048>}]} {
    %get3A = arith.constant 0 : index
    %get3A_0 = arith.constant 0 : index
    %get3A_1 = vector.load %arg1[%get3A, %get3A_0] : memref<5x2048xf32, #tpu.memory_space<vmem>>, vector<5x2048xf32>
    %slice3A = vector.extract_strided_slice %get3A_1 {offsets = [0, 0], sizes = [1, 2048], strides = [1, 1]} : vector<5x2048xf32> to vector<1x2048xf32>
    %broadcast_in_dim3A = arith.constant 1.000000e+00 : f32
    %broadcast_in_dim3A_2 = vector.broadcast %broadcast_in_dim3A : f32 to vector<1x64xf32>
    %dot_general3A = arith.constant dense<0.000000e+00> : vector<2048x64xf32>
    %dot_general3A_3 = tpu.matmul %slice3A, %broadcast_in_dim3A_2, %dot_general3A {dimension_numbers = #tpu.dot_dimension_numbers<[0], [0], [1], [1], [0, 1, 1, 1], [], []>, transpose_lhs_hint = false} : vector<1x2048xf32>, vector<1x64xf32>, vector<2048x64xf32> -> vector<2048x64xf32>
    %slice3A_4 = vector.extract_strided_slice %get3A_1 {offsets = [1, 0], sizes = [1, 2048], strides = [1, 1]} : vector<5x2048xf32> to vector<1x2048xf32>
    %broadcast_in_dim3A_5 = arith.constant 1.000000e+00 : f32
    %broadcast_in_dim3A_6 = vector.broadcast %broadcast_in_dim3A_5 : f32 to vector<1x64xf32>
    %dot_general3A_7 = arith.constant dense<0.000000e+00> : vector<2048x64xf32>
    %dot_general3A_8 = tpu.matmul %slice3A_4, %broadcast_in_dim3A_6, %dot_general3A_7 {dimension_numbers = #tpu.dot_dimension_numbers<[0], [0], [1], [1], [0, 1, 1, 1], [], []>, transpose_lhs_hint = false} : vector<1x2048xf32>, vector<1x64xf32>, vector<2048x64xf32> -> vector<2048x64xf32>
    %slice3A_9 = vector.extract_strided_slice %get3A_1 {offsets = [2, 0], sizes = [1, 2048], strides = [1, 1]} : vector<5x2048xf32> to vector<1x2048xf32>
    %broadcast_in_dim3A_10 = arith.constant 1.000000e+00 : f32
    %broadcast_in_dim3A_11 = vector.broadcast %broadcast_in_dim3A_10 : f32 to vector<1x64xf32>
    %dot_general3A_12 = arith.constant dense<0.000000e+00> : vector<2048x64xf32>
    %dot_general3A_13 = tpu.matmul %slice3A_9, %broadcast_in_dim3A_11, %dot_general3A_12 {dimension_numbers = #tpu.dot_dimension_numbers<[0], [0], [1], [1], [0, 1, 1, 1], [], []>, transpose_lhs_hint = false} : vector<1x2048xf32>, vector<1x64xf32>, vector<2048x64xf32> -> vector<2048x64xf32>
    %slice3A_14 = vector.extract_strided_slice %get3A_1 {offsets = [3, 0], sizes = [1, 2048], strides = [1, 1]} : vector<5x2048xf32> to vector<1x2048xf32>
    %broadcast_in_dim3A_15 = arith.constant 1.000000e+00 : f32
    %broadcast_in_dim3A_16 = vector.broadcast %broadcast_in_dim3A_15 : f32 to vector<1x64xf32>
    %dot_general3A_17 = arith.constant dense<0.000000e+00> : vector<2048x64xf32>
    %dot_general3A_18 = tpu.matmul %slice3A_14, %broadcast_in_dim3A_16, %dot_general3A_17 {dimension_numbers = #tpu.dot_dimension_numbers<[0], [0], [1], [1], [0, 1, 1, 1], [], []>, transpose_lhs_hint = false} : vector<1x2048xf32>, vector<1x64xf32>, vector<2048x64xf32> -> vector<2048x64xf32>
    %slice3A_19 = vector.extract_strided_slice %get3A_1 {offsets = [4, 0], sizes = [1, 2048], strides = [1, 1]} : vector<5x2048xf32> to vector<1x2048xf32>
    %broadcast_in_dim3A_20 = arith.constant 1.000000e+00 : f32
    %broadcast_in_dim3A_21 = vector.broadcast %broadcast_in_dim3A_20 : f32 to vector<1x64xf32>
    %dot_general3A_22 = arith.constant dense<0.000000e+00> : vector<2048x64xf32>
    %dot_general3A_23 = tpu.matmul %slice3A_19, %broadcast_in_dim3A_21, %dot_general3A_22 {dimension_numbers = #tpu.dot_dimension_numbers<[0], [0], [1], [1], [0, 1, 1, 1], [], []>, transpose_lhs_hint = false} : vector<1x2048xf32>, vector<1x64xf32>, vector<2048x64xf32> -> vector<2048x64xf32>
    %get3A_24 = arith.constant 0 : index
    %get3A_25 = arith.constant 0 : index
    %get3A_26 = vector.load %arg4[%get3A_24, %get3A_25] : memref<2048x128xf32, #tpu.memory_space<vmem>>, vector<2048x64xf32>
    %get3A_27 = arith.constant 0 : index
    %get3A_28 = arith.constant 64 : index
    %get3A_29 = vector.load %arg4[%get3A_27, %get3A_28] : memref<2048x128xf32, #tpu.memory_space<vmem>>, vector<2048x64xf32>
    %eq3A = arith.constant 1.000000e+00 : f32
    %eq3A_30 = vector.broadcast %eq3A : f32 to vector<2048x64xf32>
    %eq3A_31 = arith.cmpf oeq, %dot_general3A_3, %eq3A_30 : vector<2048x64xf32>
    %select_n3A = arith.select %eq3A_31, %get3A_29, %get3A_26 : vector<2048x64xi1>, vector<2048x64xf32>
    %bitcast_convert_type3A = tpu.bitcast %select_n3A : vector<2048x64xf32> -> vector<2048x64xi32>
    %eq3A_32 = arith.constant 1.000000e+00 : f32
    %eq3A_33 = vector.broadcast %eq3A_32 : f32 to vector<2048x64xf32>
    %eq3A_34 = arith.cmpf oeq, %dot_general3A_8, %eq3A_33 : vector<2048x64xf32>
    %shift_left3A = arith.constant 16 : i32
    %shift_left3A_35 = vector.broadcast %shift_left3A : i32 to vector<2048x64xi32>
    %shift_left3A_36 = arith.shli %bitcast_convert_type3A, %shift_left3A_35 : vector<2048x64xi32>
    %and3A = arith.constant -65536 : i32
    %and3A_37 = vector.broadcast %and3A : i32 to vector<2048x64xi32>
    %and3A_38 = arith.andi %bitcast_convert_type3A, %and3A_37 : vector<2048x64xi32>
    %select_n3A_39 = arith.select %eq3A_34, %shift_left3A_36, %and3A_38 : vector<2048x64xi1>, vector<2048x64xi32>
    %bitcast_convert_type3A_40 = tpu.bitcast %select_n3A_39 : vector<2048x64xi32> -> vector<2048x64xf32>
    %get3A_41 = arith.constant 0 : index
    %get3A_42 = arith.constant 0 : index
    %get3A_43 = vector.load %arg5[%get3A_41, %get3A_42] : memref<2048x128xf32, #tpu.memory_space<vmem>>, vector<2048x64xf32>
    %get3A_44 = arith.constant 0 : index
    %get3A_45 = arith.constant 64 : index
    %get3A_46 = vector.load %arg5[%get3A_44, %get3A_45] : memref<2048x128xf32, #tpu.memory_space<vmem>>, vector<2048x64xf32>
    %eq3A_47 = arith.constant 1.000000e+00 : f32
    %eq3A_48 = vector.broadcast %eq3A_47 : f32 to vector<2048x64xf32>
    %eq3A_49 = arith.cmpf oeq, %dot_general3A_13, %eq3A_48 : vector<2048x64xf32>
    %select_n3A_50 = arith.select %eq3A_49, %get3A_46, %get3A_43 : vector<2048x64xi1>, vector<2048x64xf32>
    %bitcast_convert_type3A_51 = tpu.bitcast %select_n3A_50 : vector<2048x64xf32> -> vector<2048x64xi32>
    %eq3A_52 = arith.constant 1.000000e+00 : f32
    %eq3A_53 = vector.broadcast %eq3A_52 : f32 to vector<2048x64xf32>
    %eq3A_54 = arith.cmpf oeq, %dot_general3A_18, %eq3A_53 : vector<2048x64xf32>
    %shift_left3A_55 = arith.constant 16 : i32
    %shift_left3A_56 = vector.broadcast %shift_left3A_55 : i32 to vector<2048x64xi32>
    %shift_left3A_57 = arith.shli %bitcast_convert_type3A_51, %shift_left3A_56 : vector<2048x64xi32>
    %and3A_58 = arith.constant -65536 : i32
    %and3A_59 = vector.broadcast %and3A_58 : i32 to vector<2048x64xi32>
    %and3A_60 = arith.andi %bitcast_convert_type3A_51, %and3A_59 : vector<2048x64xi32>
    %select_n3A_61 = arith.select %eq3A_54, %shift_left3A_57, %and3A_60 : vector<2048x64xi1>, vector<2048x64xi32>
    %bitcast_convert_type3A_62 = tpu.bitcast %select_n3A_61 : vector<2048x64xi32> -> vector<2048x64xf32>
    %sub3A = arith.subf %bitcast_convert_type3A_40, %bitcast_convert_type3A_62 : vector<2048x64xf32>
    %convert_element_type3A = arith.truncf %sub3A : vector<2048x64xf32> to vector<2048x64xbf16>
    %get3A_63 = arith.constant 0 : index
    %get3A_64 = arith.constant 0 : index
    %get3A_65 = vector.load %arg3[%get3A_63, %get3A_64] : memref<64x64xf32, #tpu.memory_space<vmem>>, vector<64x64xf32>
    %convert_element_type3A_66 = arith.truncf %get3A_65 : vector<64x64xf32> to vector<64x64xbf16>
    %dot_general3A_67 = arith.constant dense<0.000000e+00> : vector<2048x64xf32>
    %dot_general3A_68 = tpu.matmul %convert_element_type3A, %convert_element_type3A_66, %dot_general3A_67 {dimension_numbers = #tpu.dot_dimension_numbers<[1], [0], [0], [1], [0, 0, 1, 1], [], []>, transpose_lhs_hint = false} : vector<2048x64xbf16>, vector<64x64xbf16>, vector<2048x64xf32> -> vector<2048x64xf32>
    %iota3A = tpu.iota {dimensions = array<i32: 1>} : vector<1x64xi32>
    %convert_element_type3A_69 = arith.sitofp %iota3A : vector<1x64xi32> to vector<1x64xf32>
    %eq3A_70 = vector.broadcast %convert_element_type3A_69 : vector<1x64xf32> to vector<2048x64xf32>
    %eq3A_71 = arith.cmpf oeq, %dot_general3A_23, %eq3A_70 : vector<2048x64xf32>
    %convert_element_type3A_72 = arith.extui %eq3A_71 : vector<2048x64xi1> to vector<2048x64xi32>
    %convert_element_type3A_73 = arith.sitofp %convert_element_type3A_72 : vector<2048x64xi32> to vector<2048x64xf32>
    %get3A_74 = arith.constant 0 : index
    %get3A_75 = arith.constant 0 : index
    %get3A_76 = vector.load %arg2[%get3A_74, %get3A_75] : memref<64x64xf32, #tpu.memory_space<vmem>>, vector<64x64xf32>
    %dot_general3A_77 = arith.constant dense<0.000000e+00> : vector<2048x64xf32>
    %dot_general3A_78 = tpu.matmul %convert_element_type3A_73, %get3A_76, %dot_general3A_77 {dimension_numbers = #tpu.dot_dimension_numbers<[1], [0], [0], [1], [0, 0, 1, 1], [], []>, transpose_lhs_hint = false} : vector<2048x64xf32>, vector<64x64xf32>, vector<2048x64xf32> -> vector<2048x64xf32>
    %add3A = arith.addf %dot_general3A_68, %dot_general3A_78 : vector<2048x64xf32>
    %mul3A = arith.mulf %add3A, %add3A : vector<2048x64xf32>
    %reduce_sum3A = arith.constant dense<0.000000e+00> : vector<2048xf32>
    %reduce_sum3A_79 = vector.multi_reduction <add>, %mul3A, %reduce_sum3A [1] : vector<2048x64xf32> to vector<2048xf32>
    %swap3A = arith.constant 0 : index
    %swap3A_80 = vector.load %arg6[%swap3A] : memref<2048xf32, #tpu.memory_space<vmem>>, vector<2048xf32>
    tpu.vector_store %arg6[%swap3A], %reduce_sum3A_79 {strides = array<i32>} : memref<2048xf32, #tpu.memory_space<vmem>>, vector<2048xf32>,
    return
  }
  func.func @transform_0(%arg0: i32) -> (i32, i32) {
    %c0_i32 = arith.constant 0 : i32
    %c0_i32_0 = arith.constant 0 : i32
    return %c0_i32, %arg0 : i32, i32
  }
  func.func @transform_1(%arg0: i32) -> (i32, i32) {
    %c0_i32 = arith.constant 0 : i32
    %c0_i32_0 = arith.constant 0 : i32
    %c0_i32_1 = arith.constant 0 : i32
    return %c0_i32, %c0_i32_0 : i32, i32
  }
  func.func @transform_2(%arg0: i32) -> (i32, i32) {
    %c0_i32 = arith.constant 0 : i32
    %c0_i32_0 = arith.constant 0 : i32
    %c0_i32_1 = arith.constant 0 : i32
    return %c0_i32, %c0_i32_0 : i32, i32
  }
  func.func @transform_3(%arg0: i32) -> (i32, i32) {
    %c0_i32 = arith.constant 0 : i32
    %c0_i32_0 = arith.constant 0 : i32
    return %arg0, %c0_i32 : i32, i32
  }
  func.func @transform_4(%arg0: i32) -> (i32, i32) {
    %c0_i32 = arith.constant 0 : i32
    %c0_i32_0 = arith.constant 0 : i32
    return %arg0, %c0_i32 : i32, i32
  }
  func.func @transform_5(%arg0: i32) -> i32 {
    %c0_i32 = arith.constant 0 : i32
    return %arg0 : i32
  }
}

</mosaic_0001>

<sc_bundles>
// kernel: kernel.5.cloned.1.call-start
scs
__scs_entry_jumppad:
0x0: {  	(pc) =	sbr.rel $0x88, $3  }
0x1: {  	(tag) =	ssettag $0x0;
	lr =	simm.s32 $0x1  }
0x2: {  	[smem:$0x3F9B] =	sst lr;
	_ =	strace $0xD0000000  }
0x3: {  	_ = 	snop  }
0x4: {  	_ = 	snop  }
0x5: {  	_ = 	snop  }
0x6: {  	_ = 	snop  }
0x7: {  	_ = 	snop  }
__scs_overlays_trampoline_lowered:
0x8: {  	[smem:$0x3FAA] =	sst s0  }
0x9: {  	[smem:$0x3FAB] =	sst s1  }
0xa: {  	[smem:$0x3FAC] =	sst s2  }
0xb: {  	[smem:$0x3FAD] =	sst s3  }
0xc: {  	[smem:$0x3FAE] =	sst s4  }
0xd: {  	[smem:$0x3FAF] =	sst s5  }
0xe: {  	[smem:$0x3FB0] =	sst s6  }
0xf: {  	[smem:$0x3FB1] =	sst s7  }
0x10: {  	[smem:$0x3FB2] =	sst s8  }
0x11: {  	[smem:$0x3FB3] =	sst s9;
	s0 =	simm.s32 @!p0 $0x0  }
0x12: {  	s1 =	sld [smem:$0x3F99];
	s0 =	simm.s32 @p0 $0x1  }
0x13: {  	[smem:$0x3FB4] =	sst s0;
	s0 =	simm.s32 @!p1 $0x0  }
0x14: {  	s2 =	sld [smem:$0x3F98];
	s0 =	simm.s32 @p1 $0x1  }
0x15: {  	[smem:$0x3FB5] =	sst s0;
	s0 =	simm.s32 @!p2 $0x0  }
0x16: {  	s3 =	sld [smem:$0x3FDB];
	s0 =	simm.s32 @p2 $0x1  }
0x17: {  	s4 =	simm.s32 $0x1BF5;
	[smem:$0x3FB7] =	sst s0  }
0x18: {  	s0 =	sld [smem:$0x3F9A];
	_ =	swait.ge [sflag:s4], $0x0  }
0x19: {  	s7 =	sld [smem:$0x3F9B]  }
0x1a: {  	s8 =	sadd.s32 $0xFFFFE003, lr  }
0x1b: {  	s9 =	sadd.s32 $0xFFFFFEF7, lr;
	s5 =	simm.s32 $0xFFFFFFFF;
	p2 =	slt.u32 s8, $0xFFFFF086  }
0x1c: {  	p1 =	slt.u32 s9, $0xF7A;
	s5 =	simm.s32 @!p2 $0x0  }
0x1d: {  	s5 =	simm.s32 @p1 $0x1;
	p0 =	seq.s32 s7, s2  }
0x1e: {  	s7 =	smul.u32 @!p0 $0xF7A, s2;
	p2 =	seq.s32 @!p0 s5, $0x0  }
0x1f: {  	s9 =	smul.u32 $0xF7A, s1;
	s8 =	simm.s32 @!p0 $0x1BF5;
	p2 =	por !p2, p0  }
0x20: {  	[sflag:s8] =	ssyncset.s32 @!p0 $0xFFFFF086;
	s6 =	sadd.s32 @!p0 s3, s7;
	s7 =	simm.s32 @!p0 $0x108  }
0x21: {  	s3 =	sadd.s32 s3, s9;
	s6 =	sadd.s32 @!p0 $0x88, s6;
	s7 =	simm.s32 @p2 $0x1082  }
0x22: {  	[simem:s7], [sflag:s8] =	dma.local @!p0 [hbm:s6], $0xF7A  }
0x23: {  	s9 =	sor.u32 $0xD0000000, s2;
	s6 =	simm.s32 $0x108;
	_ =	swait.ge @!p0 [sflag:s8], $0x0  }
0x24: {  	s3 =	sadd.s32 $0x88, s3;
	s6 =	simm.s32 @!p1 $0x1082;
	[sflag:s4] =	ssyncset.s32 $0xFFFFF086  }
0x25: {  	[simem:s6], [sflag:s4] =	dma.local [hbm:s3], $0xF7A  }
0x26: {  	[smem:$0x3F9B] =	sst s1;
	(tag) =	ssettag s2;
	_ =	strace s9  }
0x27: {  	s1 =	sld [smem:$0x3FAB]  }
0x28: {  	s2 =	sld [smem:$0x3FAC]  }
0x29: {  	s4 =	sld [smem:$0x3FAE]  }
0x2a: {  	p0 =	seq.s32 s5, $0x0;
	s5 =	sld [smem:$0x3FAF]  }
0x2b: {  	s6 =	sld [smem:$0x3FB0]  }
0x2c: {  	s7 =	sld [smem:$0x3FB1]  }
0x2d: {  	s3 =	simm.s32 $0x108;
	s8 =	sld [smem:$0x3FB2]  }
0x2e: {  	s3 =	simm.s32 @!p0 $0x1082;
	s9 =	sld [smem:$0x3FB3]  }
0x2f: {  	lr =	sadd.s32 s0, s3;
	s0 =	sld [smem:$0x3FAA]  }
0x30: {  	s3 =	sld [smem:$0x3FAD]  }
0x31: {  	[smem:$0x3FB6] =	sst s10  }
0x32: {  	s10 =	sld [smem:$0x3FB4];
	_ =	sdelay $0x3  }
0x33: {  	p0 =	seq.s32 s10, $0x1;
	s10 =	sld [smem:$0x3FB6];
	_ =	sdelay $0x3  }
0x34: {  	[smem:$0x3FB6] =	sst s10  }
0x35: {  	s10 =	sld [smem:$0x3FB5];
	_ =	sdelay $0x3  }
0x36: {  	p1 =	seq.s32 s10, $0x1;
	s10 =	sld [smem:$0x3FB6];
	_ =	sdelay $0x3  }
0x37: {  	[smem:$0x3FB6] =	sst s10  }
0x38: {  	s10 =	sld [smem:$0x3FB7]  }
0x39: {  	_ = 	snop;
	(pc) =	sbr.ind lr, $3  }
0x3a: {  	_ = 	snop  }
0x3b: {  	_ = 	snop  }
0x3c: {  	p2 =	seq.s32 s10, $0x1;
	s10 =	sld [smem:$0x3FB6]  }
0x3d: {  	_ =	shalt  }
0x3e: {  	_ =	shalt  }
0x3f: {  	_ =	shalt  }
0x40: {  	_ =	shalt  }
0x41: {  	_ =	shalt  }
0x42: {  	_ =	shalt  }
0x43: {  	_ =	shalt  }
0x44: {  	_ =	shalt  }
0x45: {  	_ =	shalt  }
0x46: {  	_ =	shalt  }
0x47: {  	_ =	shalt  }
0x48: {  	_ =	shalt  }
0x49: {  	_ =	shalt  }
0x4a: {  	_ =	shalt  }
0x4b: {  	_ =	shalt  }
0x4c: {  	_ =	shalt  }
0x4d: {  	_ =	shalt  }
0x4e: {  	_ =	shalt  }
0x4f: {  	_ =	shalt  }
0x50: {  	_ =	shalt  }
0x51: {  	_ =	shalt  }
0x52: {  	_ =	shalt  }
0x53: {  	_ =	shalt  }
0x54: {  	_ =	shalt  }
0x55: {  	_ =	shalt  }
0x56: {  	_ =	shalt  }
0x57: {  	_ =	shalt  }
0x58: {  	_ =	shalt  }
0x59: {  	_ =	shalt  }
0x5a: {  	_ =	shalt  }
0x5b: {  	_ =	shalt  }
0x5c: {  	_ =	shalt  }
0x5d: {  	_ =	shalt  }
0x5e: {  	_ =	shalt  }
0x5f: {  	_ =	shalt  }
0x60: {  	_ =	shalt  }
0x61: {  	_ =	shalt  }
0x62: {  	_ =	shalt  }
0x63: {  	_ =	shalt  }
0x64: {  	_ =	shalt  }
0x65: {  	_ =	shalt  }
0x66: {  	_ =	shalt  }
0x67: {  	_ =	shalt  }
0x68: {  	_ =	shalt  }
0x69: {  	_ =	shalt  }
0x6a: {  	_ =	shalt  }
0x6b: {  	_ =	shalt  }
0x6c: {  	_ =	shalt  }
0x6d: {  	_ =	shalt  }
0x6e: {  	_ =	shalt  }
0x6f: {  	_ =	shalt  }
0x70: {  	_ =	shalt  }
0x71: {  	_ =	shalt  }
0x72: {  	_ =	shalt  }
0x73: {  	_ =	shalt  }
0x74: {  	_ =	shalt  }
0x75: {  	_ =	shalt  }
0x76: {  	_ =	shalt  }
0x77: {  	_ =	shalt  }
0x78: {  	_ =	shalt  }
0x79: {  	_ =	shalt  }
0x7a: {  	_ =	shalt  }
0x7b: {  	_ =	shalt  }
0x7c: {  	_ =	shalt  }
0x7d: {  	_ =	shalt  }
0x7e: {  	_ =	shalt  }
0x7f: {  	_ =	shalt  }
0x80: {  	_ =	shalt  }
0x81: {  	_ =	shalt  }
0x82: {  	_ =	shalt  }
0x83: {  	_ =	shalt  }
0x84: {  	_ =	shalt  }
0x85: {  	_ =	shalt  }
0x86: {  	_ =	shalt  }
0x87: {  	_ =	shalt  }
.Lfunc_end0:
.L_simem_size_0:
called_computation_lowered:
.L_overlay_start_0:
0x88: {  	s2 =	sld [smem:$0x3FD9]  }
0x89: {  	s3 =	sld [smem:$0x3FFE];
	_ =	sdelay $0x1  }
0x8a: {  	s1 =	srdreg.scid  }
0x8b: {  	s0 =	sand.u32 $0x1, s1  }
0x8c: {  	s17 =	sshll.u32 s0, $0xA;
	s2 =	sadd.s32 s3, s2  }
0x8d: {  	s2 =	sadd.s32 s2, s17  }
0x8e: {  	[smem:$0x3FC2] =	sst s2  }
0x8f: {  	_ = 	snop  }
0x90: {  	s2 =	sld [smem:$0x3FD0];
	(tm) =	ssettm $0x1  }
0x91: {  	s18 =	sld [smem:$0x3FFB];
	_ =	sdelay $0x3  }
0x92: {  	_ =	strace s18  }
0x93: {  	s3 =	sld [smem:$0x3FFC];
	_ =	sdelay $0x3  }
0x94: {  	_ =	strace s3  }
0x95: {  	s3 =	sld [smem:$0x3FFD];
	_ =	sdelay $0x3  }
0x96: {  	_ =	strace s3  }
0x97: {  	_ =	strace $0x8FFFFFFF  }
0x98: {  	s19 =	sld [smem:$0x3FDB];
	_ =	sdelay $0x1  }
0x99: {  	s4 =	simm.s32 $_scs_section_size  }
0x9a: {  	s5 =	simm.s32 $_size__tile_overlayer_lowered;
	s6 =	simm.s32 $_tile_overlayer_lowered  }
0x9b: {  	s22 =	simm.s32 $0x1BFF;
	s21 =	sshll.u32 s6, $0x1;
	s3 =	sadd.s32 s4, s19  }
0x9c: {  	s7 =	simm.s32 $0x0;
	s20 =	sshll.u32 s5, $0x1;
	s5 =	sadd.s32 s21, s3  }
0x9d: {  	[timem:s7], [sflag:s22] =	dma.local [hbm:s5], s20  }
0x9e: {  	_ =	swait.ge [sflag:s22], s20  }
0x9f: {  	s4 =	ssub.s32 $0x0, s20;
	[sflag:s22] =	ssyncset.done $0x0  }
0xa0: {  	[sflag:s22] =	ssyncadd.s32 s4;
	_ =	sdelay $0x1  }
0xa1: {  	s23 =	simm.s32 $0x1B8B  }
0xa2: {  	_ =	swait.ge [sflag:s23], $0x1  }
0xa3: {  	[sflag:s23] =	ssyncset.done $0x0  }
0xa4: {  	s25 =	simm.s32 $0x1B8E;
	s24 =	sld [smem:$0x3FFE];
	[sflag:s23] =	ssyncadd.s32 $0xFFFFFFFF  }
0xa5: {  	s26 =	simm.s32 $execute0_lowered;
	[smem:$0x3FD2] =	sst s25  }
0xa6: {  	s5 =	sshll.u32 s26, $0x1;
	_ =	strace $0x80000046;
	[dreg:$0x1] =	wrdreg $0xFFFFFFFF  }
0xa7: {  	s28 =	simm.s32 $_size_execute0_lowered;
	s3 =	sadd.s32 s3, s5;
	[dreg:$0x0] =	wrdreg $0x0  }
0xa8: {  	s5 =	sshll.u32 s28, $0x1;
	[dreg:$0x2] =	wrdreg s3  }
0xa9: {  	[dreg:$0x3] =	wrdreg s5  }
0xaa: {  	[dreg:$0x4] =	wrdreg $0xC0  }
0xab: {  	_ =	task [dreg:s7], $0x5FFFF  }
0xac: {  	[dreg:$0x1] =	wrdreg $0xFFFFFFFF  }
0xad: {  	[dreg:$0x0] =	wrdreg $0x60  }
0xae: {  	[dreg:$0x2] =	wrdreg s2  }
0xaf: {  	[dreg:$0x3] =	wrdreg s24  }
0xb0: {  	[dreg:$0x4] =	wrdreg $0x9  }
0xb1: {  	_ =	task.clear_ibuf [dreg:s7], $0x5FFFF;
	_ =	strace $0x90000046  }
0xb2: {  	s29 =	simm.s32 $0x9;
	_ =	strace $0x80000048  }
0xb3: {  	_ =	swait.ge [sflag:s29], $0x1  }
0xb4: {  	[sflag:s29] =	ssyncadd.s32 $0xFFFFFFFF  }
0xb5: {  	_ =	strace $0x90000048  }
0xb6: {  	_ =	sfence  }
0xb7: {  	s30 =	sld [smem:$0x0];
	_ =	sdelay $0x2  }
0xb8: {  	s31 =	sshll.u32 s1, $0xD;
	s1 =	sshrl.u32 s1, $0x2  }
0xb9: {  	s3 =	sand.u32 $0x4000, s31;
	s1 =	sadd.s32 s1, s30  }
0xba: {  	s0 =	sor.u32 s3, s0;
	s1 =	sshll.u32 s1, $0x11  }
0xbb: {  	s0 =	sor.u32 s1, s0  }
0xbc: {  	s0 =	sadd.s32 $0x8F2B, s0  }
0xbd: {  	[sflag:s0] =	ssyncadd.remote.s32 $0x1  }
0xbe: {  	_ =	sfence.sel $0xFFFF  }
0xbf: {  	[dreg:$0x0] =	wrdreg $0xFFFFFFFF;
	(pc) =	sbr.abs _section_cstart, $3  }
0xc0: {  	[dreg:$0x1] =	wrdreg $0xFFFFFFFF  }
0xc1: {  	_ =	task.clear_ibuf [dreg:s7], $0x2FFFF;
	_ =	strace $0x9FFFFFFF  }
0xc2: {  	(tm) =	ssettm $0x7FFFFFFF  }
0xc3: {  	_ =	shalt  }
tec
execute0_lowered:
.L_overlay_start_1:
0x0: {  	(tag) =	ssettag $0x1  }
0x1: {  	s3 =	rddreg [dreg:$0x0]  }
0x2: {  	s16 =	rddreg [dreg:$0x1];
	s2 =	srdreg.scid  }
0x3: {  	s0 =	rddreg [dreg:$0x2];
	s1 =	stileid.u32;
	s30 =	sand.u32 $0x1, s2  }
0x4: {  	s2 =	simm.s32 $0x0;
	s4 =	sshll.u32 s1, $0x7;
	s5 =	sshll.u32 s30, $0x6  }
0x5: {  	[smem:$0x7FF] =	sst s2;
	s5 =	sor.u32 s5, s4  }
0x6: {  	_ =	strace $0x80000047;
	s4 =	simm.s32 $0x4;
	s3 =	sadd.s32 s3, s5  }
0x7: {  	[tilespmem:s2], [sflag:$0x4] =	stream.linear.gather [hbm4b:s3+s2], $0x200, $0x38;
	[tilespmem:$0x10400] =	vst v63  }
0x8: {  	_ =	swait.ge [sflag:s4], $0x200  }
0x9: {  	s5 =	sadd.s32 s5, s16;
	[sflag:s4] =	ssyncset.done $0x0  }
0xa: {  	s6 =	simm.s32 $0x200;
	s5 =	sadd.s32 $0x3E1800, s5;
	[sflag:s4] =	ssyncadd.s32 $0xFFFFFE00  }
0xb: {  	[tilespmem:s6], [sflag:$0x4] =	stream.linear.gather [hbm4b:s5+s2], $0x200, $0x38;
	[tilespmem:$0x10400] =	vst v63  }
0xc: {  	_ =	swait.ge [sflag:s4], $0x200  }
0xd: {  	s8 =	simm.s32 $0x80;
	[sflag:s4] =	ssyncset.done $0x0  }
0xe: {  	s9 =	simm.s32 $0x400;
	s7 =	sadd.s32 $0x1800, s16;
	[sflag:s4] =	ssyncadd.s32 $0xFFFFFE00  }
0xf: {  	[tilespmem:s9], [sflag:$0x1] =	stream.indirect.gather [hbm4b:s7+s8], $0x80, s2, s8, $0xb8;
	[tilespmem:$0x10400] =	vst v63  }
0x10: {  	s10 =	simm.s32 $0x8400  }
0x11: {  	[tilespmem:s10], [sflag:$0x2] =	stream.indirect.gather [hbm4b:s7+s8], $0x80, s6, s8, $0xb8;
	[tilespmem:$0x10400] =	vst v63  }
0x12: {  	s11 =	simm.s32 $0x4400  }
0x13: {  	[tilespmem:s11], [sflag:$0x1] =	stream.indirect.gather [hbm4b:s7+s8], $0x80, s8, s8, $0xb8;
	[tilespmem:$0x10400] =	vst v63  }
0x14: {  	s12 =	simm.s32 $0x280;
	s13 =	simm.s32 $0xC400;
	s14 =	simm.s32 $0x1  }
0x15: {  	[tilespmem:s13], [sflag:$0x2] =	stream.indirect.gather [hbm4b:s7+s8], $0x80, s12, s8, $0xb8;
	[tilespmem:$0x10400] =	vst v63  }
0x16: {  	_ =	swait.ge [sflag:s14], $0x4000  }
0x17: {  	[sflag:s14] =	ssyncset.done $0x0  }
0x18: {  	s15 =	simm.s32 $0x2;
	[sflag:s14] =	ssyncadd.s32 $0xFFFFC000  }
0x19: {  	s17 =	sshll.u32 s1, $0xE;
	s18 =	sshll.u32 s30, $0xD;
	_ =	swait.ge [sflag:s15], $0x4000  }
0x1a: {  	s28 =	sadd.s32 $0x3E2000, s16;
	s31 =	sor.u32 s18, s17;
	[sflag:s15] =	ssyncset.done $0x0  }
0x1b: {  	s29 =	sadd.s32 $0x422000, s16;
	s16 =	sadd.s32 s28, s31;
	[sflag:s15] =	ssyncadd.s32 $0xFFFFC000  }
0x1c: {  	[hbm4b:s16+s2] =	stream.linear.scatter [tilespmem:s9], [sflag:$0x3], $0x4000, $0x38;
	[tilespmem:$0x10400] =	vst v63  }
0x1d: {  	s17 =	sadd.s32 s29, s31  }
0x1e: {  	[hbm4b:s17+s2] =	stream.linear.scatter [tilespmem:s10], [sflag:$0x3], $0x4000, $0x38;
	[tilespmem:$0x10400] =	vst v63  }
0x1f: {  	s18 =	simm.s32 $0x100  }
0x20: {  	[tilespmem:s9], [sflag:$0x1] =	stream.indirect.gather [hbm4b:s7+s8], $0x80, s18, s8, $0xb8;
	[tilespmem:$0x10400] =	vst v63  }
0x21: {  	s19 =	simm.s32 $0x300  }
0x22: {  	[tilespmem:s10], [sflag:$0x2] =	stream.indirect.gather [hbm4b:s7+s8], $0x80, s19, s8, $0xb8;
	[tilespmem:$0x10400] =	vst v63  }
0x23: {  	_ =	swait.ge [sflag:s14], $0x4000  }
0x24: {  	[sflag:s14] =	ssyncset.done $0x0  }
0x25: {  	[sflag:s14] =	ssyncadd.s32 $0xFFFFC000  }
0x26: {  	_ =	swait.ge [sflag:s15], $0x4000  }
0x27: {  	[sflag:s15] =	ssyncset.done $0x0  }
0x28: {  	s20 =	simm.s32 $0x3;
	[sflag:s15] =	ssyncadd.s32 $0xFFFFC000  }
0x29: {  	_ =	swait.ge [sflag:s20], $0x4000  }
0x2a: {  	[sflag:s20] =	ssyncset.done $0x0  }
0x2b: {  	[sflag:s20] =	ssyncadd.s32 $0xFFFFC000  }
0x2c: {  	_ =	swait.ge [sflag:s20], $0x4000  }
0x2d: {  	s22 =	sor.u32 $0x800, s31;
	[sflag:s20] =	ssyncset.done $0x0  }
0x2e: {  	s21 =	sadd.s32 s28, s22;
	[sflag:s20] =	ssyncadd.s32 $0xFFFFC000  }
0x2f: {  	[hbm4b:s21+s2] =	stream.linear.scatter [tilespmem:s11], [sflag:$0x3], $0x4000, $0x38;
	[tilespmem:$0x10400] =	vst v63  }
0x30: {  	s22 =	sadd.s32 s29, s22  }
0x31: {  	[hbm4b:s22+s2] =	stream.linear.scatter [tilespmem:s13], [sflag:$0x3], $0x4000, $0x38;
	[tilespmem:$0x10400] =	vst v63  }
0x32: {  	s23 =	simm.s32 $0x180  }
0x33: {  	[tilespmem:s11], [sflag:$0x1] =	stream.indirect.gather [hbm4b:s7+s8], $0x80, s23, s8, $0xb8;
	[tilespmem:$0x10400] =	vst v63  }
0x34: {  	s24 =	simm.s32 $0x380  }
0x35: {  	[tilespmem:s13], [sflag:$0x2] =	stream.indirect.gather [hbm4b:s7+s8], $0x80, s24, s8, $0xb8;
	[tilespmem:$0x10400] =	vst v63  }
0x36: {  	_ =	swait.ge [sflag:s14], $0x4000  }
0x37: {  	[sflag:s14] =	ssyncset.done $0x0  }
0x38: {  	[sflag:s14] =	ssyncadd.s32 $0xFFFFC000  }
0x39: {  	_ =	swait.ge [sflag:s15], $0x4000  }
0x3a: {  	[sflag:s15] =	ssyncset.done $0x0  }
0x3b: {  	[sflag:s15] =	ssyncadd.s32 $0xFFFFC000  }
0x3c: {  	_ =	swait.ge [sflag:s20], $0x4000  }
0x3d: {  	[sflag:s20] =	ssyncset.done $0x0  }
0x3e: {  	[sflag:s20] =	ssyncadd.s32 $0xFFFFC000  }
0x3f: {  	_ =	swait.ge [sflag:s20], $0x4000  }
0x40: {  	s26 =	sor.u32 $0x1000, s31;
	[sflag:s20] =	ssyncset.done $0x0  }
0x41: {  	s25 =	sadd.s32 s28, s26;
	[sflag:s20] =	ssyncadd.s32 $0xFFFFC000  }
0x42: {  	[hbm4b:s25+s2] =	stream.linear.scatter [tilespmem:s9], [sflag:$0x3], $0x4000, $0x38;
	[tilespmem:$0x10400] =	vst v63  }
0x43: {  	s26 =	sadd.s32 s29, s26  }
0x44: {  	[hbm4b:s26+s2] =	stream.linear.scatter [tilespmem:s10], [sflag:$0x3], $0x4000, $0x38;
	[tilespmem:$0x10400] =	vst v63  }
0x45: {  	_ =	swait.ge [sflag:s14], $0x4000  }
0x46: {  	[sflag:s14] =	ssyncset.done $0x0  }
0x47: {  	[sflag:s14] =	ssyncadd.s32 $0xFFFFC000  }
0x48: {  	_ =	swait.ge [sflag:s15], $0x4000  }
0x49: {  	[sflag:s15] =	ssyncset.done $0x0  }
0x4a: {  	[sflag:s15] =	ssyncadd.s32 $0xFFFFC000  }
0x4b: {  	_ =	swait.ge [sflag:s20], $0x4000  }
0x4c: {  	s31 =	sor.u32 $0x1800, s31;
	[sflag:s20] =	ssyncset.done $0x0  }
0x4d: {  	s30 =	ssub.s32 $0x2, s30;
	s28 =	sadd.s32 s28, s31;
	[sflag:s20] =	ssyncadd.s32 $0xFFFFC000  }
0x4e: {  	s29 =	sadd.s32 s29, s31;
	s31 =	sshrl.u32 s30, $0x1;
	_ =	swait.ge [sflag:s20], $0x4000  }
0x4f: {  	s30 =	ssub.s32 s30, s31;
	[sflag:s20] =	ssyncset.done $0x0  }
0x50: {  	s30 =	smax.u32 s30, $0x1;
	[sflag:s20] =	ssyncadd.s32 $0xFFFFC000  }
0x51: {  	[hbm4b:s28+s2] =	stream.linear.scatter [tilespmem:s11], [sflag:$0x3], $0x4000, $0x38;
	[tilespmem:$0x10400] =	vst v63  }
0x52: {  	p0 =	sne.s32 s30, $0x1  }
0x53: {  	[hbm4b:s29+s2] =	stream.linear.scatter [tilespmem:s13], [sflag:$0x3], $0x4000, $0x38;
	[tilespmem:$0x10400] =	vst v63  }
.Ltmp0:
0x54: {  	_ =	swait.ge [sflag:s20], $0x4000;
	(pc) =	sbr.rel @!p0 .LBB2_2-.Ltmp0, $4  }
0x55: {  	[sflag:s20] =	ssyncset.done $0x0  }
0x56: {  	[sflag:s20] =	ssyncadd.s32 $0xFFFFC000  }
0x57: {  	_ =	swait.ge [sflag:s20], $0x4000  }
0x58: {  	s30 =	sadd.s32 $0xFFFFFFFF, s30;
	[sflag:s20] =	ssyncset.done $0x0  }
.LBB2_1:
0x59: {  	p0 =	sne.s32 s30, $0x1;
	s30 =	sadd.s32 $0xFFFFFFFF, s30;
	[sflag:s20] =	ssyncadd.s32 $0xFFFFC000  }
0x5a: {  	[tilespmem:s2], [sflag:$0x4] =	stream.linear.gather [hbm4b:s3+s2], $0x200, $0x38;
	[tilespmem:$0x10400] =	vst v63  }
0x5b: {  	_ =	swait.ge [sflag:s4], $0x200  }
0x5c: {  	[sflag:s4] =	ssyncset.done $0x0  }
0x5d: {  	[sflag:s4] =	ssyncadd.s32 $0xFFFFFE00  }
0x5e: {  	[tilespmem:s6], [sflag:$0x4] =	stream.linear.gather [hbm4b:s5+s2], $0x200, $0x38;
	[tilespmem:$0x10400] =	vst v63  }
0x5f: {  	_ =	swait.ge [sflag:s4], $0x200  }
0x60: {  	[sflag:s4] =	ssyncset.done $0x0  }
0x61: {  	[sflag:s4] =	ssyncadd.s32 $0xFFFFFE00  }
0x62: {  	[tilespmem:s9], [sflag:$0x1] =	stream.indirect.gather [hbm4b:s7+s8], $0x80, s2, s8, $0xb8;
	[tilespmem:$0x10400] =	vst v63  }
0x63: {  	_ = 	snop  }
0x64: {  	[tilespmem:s10], [sflag:$0x2] =	stream.indirect.gather [hbm4b:s7+s8], $0x80, s6, s8, $0xb8;
	[tilespmem:$0x10400] =	vst v63  }
0x65: {  	_ = 	snop  }
0x66: {  	[tilespmem:s11], [sflag:$0x1] =	stream.indirect.gather [hbm4b:s7+s8], $0x80, s8, s8, $0xb8;
	[tilespmem:$0x10400] =	vst v63  }
0x67: {  	_ = 	snop  }
0x68: {  	[tilespmem:s13], [sflag:$0x2] =	stream.indirect.gather [hbm4b:s7+s8], $0x80, s12, s8, $0xb8;
	[tilespmem:$0x10400] =	vst v63  }
0x69: {  	_ =	swait.ge [sflag:s14], $0x4000  }
0x6a: {  	[sflag:s14] =	ssyncset.done $0x0  }
0x6b: {  	[sflag:s14] =	ssyncadd.s32 $0xFFFFC000  }
0x6c: {  	_ =	swait.ge [sflag:s15], $0x4000  }
0x6d: {  	[sflag:s15] =	ssyncset.done $0x0  }
0x6e: {  	[sflag:s15] =	ssyncadd.s32 $0xFFFFC000  }
0x6f: {  	[hbm4b:s16+s2] =	stream.linear.scatter [tilespmem:s9], [sflag:$0x3], $0x4000, $0x38;
	[tilespmem:$0x10400] =	vst v63  }
0x70: {  	_ = 	snop  }
0x71: {  	[hbm4b:s17+s2] =	stream.linear.scatter [tilespmem:s10], [sflag:$0x3], $0x4000, $0x38;
	[tilespmem:$0x10400] =	vst v63  }
0x72: {  	_ = 	snop  }
0x73: {  	[tilespmem:s9], [sflag:$0x1] =	stream.indirect.gather [hbm4b:s7+s8], $0x80, s18, s8, $0xb8;
	[tilespmem:$0x10400] =	vst v63  }
0x74: {  	_ = 	snop  }
0x75: {  	[tilespmem:s10], [sflag:$0x2] =	stream.indirect.gather [hbm4b:s7+s8], $0x80, s19, s8, $0xb8;
	[tilespmem:$0x10400] =	vst v63  }
0x76: {  	_ =	swait.ge [sflag:s14], $0x4000  }
0x77: {  	[sflag:s14] =	ssyncset.done $0x0  }
0x78: {  	[sflag:s14] =	ssyncadd.s32 $0xFFFFC000  }
0x79: {  	_ =	swait.ge [sflag:s15], $0x4000  }
0x7a: {  	[sflag:s15] =	ssyncset.done $0x0  }
0x7b: {  	[sflag:s15] =	ssyncadd.s32 $0xFFFFC000  }
0x7c: {  	_ =	swait.ge [sflag:s20], $0x4000  }
0x7d: {  	[sflag:s20] =	ssyncset.done $0x0  }
0x7e: {  	[sflag:s20] =	ssyncadd.s32 $0xFFFFC000  }
0x7f: {  	_ =	swait.ge [sflag:s20], $0x4000  }
0x80: {  	[sflag:s20] =	ssyncset.done $0x0  }
0x81: {  	[sflag:s20] =	ssyncadd.s32 $0xFFFFC000  }
0x82: {  	[hbm4b:s21+s2] =	stream.linear.scatter [tilespmem:s11], [sflag:$0x3], $0x4000, $0x38;
	[tilespmem:$0x10400] =	vst v63  }
0x83: {  	_ = 	snop  }
0x84: {  	[hbm4b:s22+s2] =	stream.linear.scatter [tilespmem:s13], [sflag:$0x3], $0x4000, $0x38;
	[tilespmem:$0x10400] =	vst v63  }
0x85: {  	_ = 	snop  }
0x86: {  	[tilespmem:s11], [sflag:$0x1] =	stream.indirect.gather [hbm4b:s7+s8], $0x80, s23, s8, $0xb8;
	[tilespmem:$0x10400] =	vst v63  }
0x87: {  	_ = 	snop  }
0x88: {  	[tilespmem:s13], [sflag:$0x2] =	stream.indirect.gather [hbm4b:s7+s8], $0x80, s24, s8, $0xb8;
	[tilespmem:$0x10400] =	vst v63  }
0x89: {  	_ =	swait.ge [sflag:s14], $0x4000  }
0x8a: {  	[sflag:s14] =	ssyncset.done $0x0  }
0x8b: {  	[sflag:s14] =	ssyncadd.s32 $0xFFFFC000  }
0x8c: {  	_ =	swait.ge [sflag:s15], $0x4000  }
0x8d: {  	[sflag:s15] =	ssyncset.done $0x0  }
0x8e: {  	[sflag:s15] =	ssyncadd.s32 $0xFFFFC000  }
0x8f: {  	_ =	swait.ge [sflag:s20], $0x4000  }
0x90: {  	[sflag:s20] =	ssyncset.done $0x0  }
0x91: {  	[sflag:s20] =	ssyncadd.s32 $0xFFFFC000  }
0x92: {  	_ =	swait.ge [sflag:s20], $0x4000  }
0x93: {  	[sflag:s20] =	ssyncset.done $0x0  }
0x94: {  	[sflag:s20] =	ssyncadd.s32 $0xFFFFC000  }
0x95: {  	[hbm4b:s25+s2] =	stream.linear.scatter [tilespmem:s9], [sflag:$0x3], $0x4000, $0x38;
	[tilespmem:$0x10400] =	vst v63  }
0x96: {  	_ = 	snop  }
0x97: {  	[hbm4b:s26+s2] =	stream.linear.scatter [tilespmem:s10], [sflag:$0x3], $0x4000, $0x38;
	[tilespmem:$0x10400] =	vst v63  }
0x98: {  	_ =	swait.ge [sflag:s14], $0x4000  }
0x99: {  	[sflag:s14] =	ssyncset.done $0x0  }
0x9a: {  	[sflag:s14] =	ssyncadd.s32 $0xFFFFC000  }
0x9b: {  	_ =	swait.ge [sflag:s15], $0x4000  }
0x9c: {  	[sflag:s15] =	ssyncset.done $0x0  }
0x9d: {  	[sflag:s15] =	ssyncadd.s32 $0xFFFFC000  }
0x9e: {  	_ =	swait.ge [sflag:s20], $0x4000  }
0x9f: {  	[sflag:s20] =	ssyncset.done $0x0  }
0xa0: {  	[sflag:s20] =	ssyncadd.s32 $0xFFFFC000  }
0xa1: {  	_ =	swait.ge [sflag:s20], $0x4000  }
0xa2: {  	[sflag:s20] =	ssyncset.done $0x0  }
0xa3: {  	[sflag:s20] =	ssyncadd.s32 $0xFFFFC000  }
0xa4: {  	[hbm4b:s28+s2] =	stream.linear.scatter [tilespmem:s11], [sflag:$0x3], $0x4000, $0x38;
	[tilespmem:$0x10400] =	vst v63  }
0xa5: {  	_ = 	snop  }
0xa6: {  	[hbm4b:s29+s2] =	stream.linear.scatter [tilespmem:s13], [sflag:$0x3], $0x4000, $0x38;
	[tilespmem:$0x10400] =	vst v63  }
.Ltmp1:
0xa7: {  	_ =	swait.ge [sflag:s20], $0x4000;
	(pc) =	sbr.rel @p0 .LBB2_1-.Ltmp1, $4  }
0xa8: {  	[sflag:s20] =	ssyncset.done $0x0  }
0xa9: {  	[sflag:s20] =	ssyncadd.s32 $0xFFFFC000  }
0xaa: {  	_ =	swait.ge [sflag:s20], $0x4000  }
0xab: {  	[sflag:s20] =	ssyncset.done $0x0  }
.LBB2_2:
0xac: {  	[sflag:s20] =	ssyncadd.s32 $0xFFFFC000  }
0xad: {  	_ =	sfence.sel $0x180000  }
0xae: {  	[bflag:$0x0] =	sbarrier.arrive $0xFFFF  }
0xaf: {  	p0 =	sne.s32 s1, $0x0;
	_ =	strace $0x90000047  }
0xb0: {  	s0 =	sadd.s32 @!p0 $0x100000, s0;
	[bflag:$0x2] =	sbarrier.arrive $0xFFFF  }
0xb1: {  	[sflag:s0] =	ssyncadd.tile.s32 @!p0 $0x1;
	_ =	shalt  }
.Lfunc_end2:
_tile_overlayer_lowered:
.L_overlay_start_2:
0xb2: {  	(tag) =	ssettag $0x2  }
0xb3: {  	s0 =	rddreg [dreg:$0x0];
	s2 =	stileid.u32  }
0xb4: {  	s1 =	rddreg [dreg:$0x1];
	p0 =	sne.s32 s2, $0x0  }
0xb5: {  	s3 =	rddreg [dreg:$0x2];
	[bflag:$0x3] =	sbarrier.arrive $0xFFFF;
	s2 =	simm.s32 @!p0 $0x1C04  }
0xb6: {  	[timem:s3], [sflag:s2] =	dma.local @!p0 [hbm:s0], s1  }
0xb7: {  	s0 =	simm.s32 @!p0 $0x4  }
0xb8: {  	_ =	swait.ge @!p0 [sflag:s0], s1  }
0xb9: {  	s1 =	ssub.s32 @!p0 $0x0, s1;
	[sflag:s0] =	ssyncset.done @!p0 $0x0  }
0xba: {  	[sflag:s0] =	ssyncadd.s32 @!p0 s1  }
0xbb: {  	[bflag:$0x3] =	sbarrier.arrive $0xFFFF  }
0xbc: {  	_ =	shalt  }

</sc_bundles>
